<compile_context>
chip_gen: v7x
topology: tpu7x:2x2x1
jax: 0.10.2.dev20260603
libtpu: 0.0.44.dev20260713+nightly
codegen_flags: <defaults>
</compile_context>

<pallas_src>
import functools

import jax
import jax.numpy as jnp
from jax import lax
from jax.experimental import pallas as pl
from jax.experimental.pallas import tpu as pltpu
from jax.experimental.pallas import tpu_sc as plsc

OVERSAMPLE_MUL = 6
FPS_KNN = 4
ALPHA = 0.6
SFLOOR = 0.03
SCEIL = 2.0
SIGMA_S = 1.0
JITTER = 1e-06


_LANES = 16


def _bf16_rt(x):
    y = plsc.bitcast(x, jnp.int32)
    r = (y + 32767 + ((y >> 16) & 1)) & (-65536)
    return plsc.bitcast(r, jnp.float32)


def _sc_sample_fps_body(u_hbm, cdf_hbm, e0_hbm, e1_hbm, e2_hbm,
                        mxt_hbm, myt_hbm, mzt_hbm,
                        t00_hbm, t10_hbm, t11_hbm, t20_hbm, t21_hbm, t22_hbm,
                        ox_hbm, oy_hbm, oz_hbm,
                        u_v, e0_v, e1_v, e2_v, cdf_v,
                        mxt_v, myt_v, mzt_v,
                        t00_v, t10_v, t11_v, t20_v, t21_v, t22_v,
                        cx_v, cy_v, cz_v, d_v, ox_v, oy_v, oz_v):
    B, M = u_hbm.shape
    K = cdf_hbm.shape[1]
    N = ox_hbm.shape[1]
    NCH = M // _LANES
    wid = lax.axis_index("s")

    @pl.when((lax.axis_index("c") == 0) & (wid < B))
    def _():
        b = wid
        pltpu.sync_copy(u_hbm.at[b], u_v)
        pltpu.sync_copy(cdf_hbm.at[b], cdf_v)
        pltpu.sync_copy(e0_hbm.at[b], e0_v)
        pltpu.sync_copy(e1_hbm.at[b], e1_v)
        pltpu.sync_copy(e2_hbm.at[b], e2_v)
        pltpu.sync_copy(mxt_hbm.at[b], mxt_v)
        pltpu.sync_copy(myt_hbm.at[b], myt_v)
        pltpu.sync_copy(mzt_hbm.at[b], mzt_v)
        pltpu.sync_copy(t00_hbm.at[b], t00_v)
        pltpu.sync_copy(t10_hbm.at[b], t10_v)
        pltpu.sync_copy(t11_hbm.at[b], t11_v)
        pltpu.sync_copy(t20_hbm.at[b], t20_v)
        pltpu.sync_copy(t21_hbm.at[b], t21_v)
        pltpu.sync_copy(t22_hbm.at[b], t22_v)

        def chunk1(c, carry):
            sl = pl.ds(c * _LANES, _LANES)
            uu = u_v[sl]
            lo = jnp.zeros((_LANES,), jnp.int32)
            s = K
            while s > 1:
                s //= 2
                t = lo + s
                g = plsc.load_gather(cdf_v, [t - 1])
                lo = jnp.where(g < uu, t, lo)
            comp = jnp.minimum(lo, K - 1)
            mgx = plsc.load_gather(mxt_v, [comp])
            mgy = plsc.load_gather(myt_v, [comp])
            mgz = plsc.load_gather(mzt_v, [comp])
            l00 = _bf16_rt(plsc.load_gather(t00_v, [comp]))
            l10 = _bf16_rt(plsc.load_gather(t10_v, [comp]))
            l11 = _bf16_rt(plsc.load_gather(t11_v, [comp]))
            l20 = _bf16_rt(plsc.load_gather(t20_v, [comp]))
            l21 = _bf16_rt(plsc.load_gather(t21_v, [comp]))
            l22 = _bf16_rt(plsc.load_gather(t22_v, [comp]))
            e0 = _bf16_rt(e0_v[sl])
            e1 = _bf16_rt(e1_v[sl])
            e2 = _bf16_rt(e2_v[sl])
            cx_v[sl] = mgx + l00 * e0
            cy_v[sl] = mgy + (l10 * e0 + l11 * e1)
            cz_v[sl] = mgz + ((l20 * e0 + l21 * e1) + l22 * e2)
            d_v[sl] = jnp.full((_LANES,), jnp.inf, jnp.float32)
            return carry

        lax.fori_loop(0, NCH, chunk1, 0)

        lane = lax.iota(jnp.int32, _LANES)
        ninf = jnp.full((_LANES,), -jnp.inf, jnp.float32)

        def pick(ref, lc, ll):
            v = ref[pl.ds(lc * _LANES, _LANES)]
            return jnp.max(jnp.where(lane == ll, v, ninf))

        def step(t, carry):
            last, oxc, oyc, ozc = carry
            lc = last // _LANES
            ll = last % _LANES
            px = pick(cx_v, lc, ll)
            py = pick(cy_v, lc, ll)
            pz = pick(cz_v, lc, ll)
            lt = t % _LANES
            oxc = jnp.where(lane == lt, px, oxc)
            oyc = jnp.where(lane == lt, py, oyc)
            ozc = jnp.where(lane == lt, pz, ozc)

            @pl.when(lt == _LANES - 1)
            def _():
                base = (t // _LANES) * _LANES
                ox_v[pl.ds(base, _LANES)] = oxc
                oy_v[pl.ds(base, _LANES)] = oyc
                oz_v[pl.ds(base, _LANES)] = ozc

            rmax0 = ninf
            ridx0 = jnp.zeros((_LANES,), jnp.int32)

            @plsc.parallel_loop(0, NCH, unroll=4, carry=(rmax0, ridx0))
            def chunk2(c, carry2):
                rmax, ridx = carry2
                sl = pl.ds(c * _LANES, _LANES)
                dx = cx_v[sl] - px
                dy = cy_v[sl] - py
                dz = cz_v[sl] - pz
                dist = (dx * dx + dy * dy) + dz * dz
                dn = jnp.minimum(d_v[sl], dist)
                d_v[sl] = dn
                upd = dn > rmax
                rmax = jnp.where(upd, dn, rmax)
                ridx = jnp.where(upd, c, ridx)
                return rmax, ridx

            rmax, ridx = chunk2
            gmax = jnp.max(rmax)
            cand = jnp.where(rmax == gmax, ridx * _LANES + lane, M)
            return jnp.min(cand), oxc, oyc, ozc

        zv = jnp.zeros((_LANES,), jnp.float32)
        lax.fori_loop(0, N, step, (jnp.int32(0), zv, zv, zv))
        pltpu.sync_copy(ox_v, ox_hbm.at[b])
        pltpu.sync_copy(oy_v, oy_hbm.at[b])
        pltpu.sync_copy(oz_v, oz_hbm.at[b])


def _sc_sample_fps(u, cdf, eps, mu_p, Ls, N):
    B, M = u.shape
    K = cdf.shape[1]
    f32 = jnp.float32
    vm = lambda n: pltpu.VMEM((n,), f32)
    out = jax.ShapeDtypeStruct((B, N), f32)
    mesh = plsc.VectorSubcoreMesh(core_axis_name="c", subcore_axis_name="s")
    kern = pl.kernel(
        _sc_sample_fps_body,
        out_type=(out, out, out),
        mesh=mesh,
        compiler_params=pltpu.CompilerParams(needs_layout_passes=False),
        scratch_types=[vm(M), vm(M), vm(M), vm(M), vm(K),
                       vm(K), vm(K), vm(K),
                       vm(K), vm(K), vm(K), vm(K), vm(K), vm(K),
                       vm(M), vm(M), vm(M), vm(M), vm(N), vm(N), vm(N)],
    )
    return kern(u, cdf, eps[..., 0], eps[..., 1], eps[..., 2],
                mu_p[..., 0], mu_p[..., 1], mu_p[..., 2], *Ls)


def _chol_body(a00_ref, a10_ref, a11_ref, a20_ref, a21_ref, a22_ref,
               l00_ref, l10_ref, l11_ref, l20_ref, l21_ref, l22_ref):
    l00 = jnp.sqrt(a00_ref[...] + JITTER)
    l10 = a10_ref[...] / l00
    l20 = a20_ref[...] / l00
    l11 = jnp.sqrt((a11_ref[...] + JITTER) - l10 * l10)
    l21 = (a21_ref[...] - l20 * l10) / l11
    l22 = jnp.sqrt((a22_ref[...] + JITTER) - (l20 * l20 + l21 * l21))
    l00_ref[...] = l00
    l10_ref[...] = l10
    l11_ref[...] = l11
    l20_ref[...] = l20
    l21_ref[...] = l21
    l22_ref[...] = l22


def _chol_call(Sig_p):
    B, K = Sig_p.shape[:2]
    out = jax.ShapeDtypeStruct((B, K), jnp.float32)
    return pl.pallas_call(
        _chol_body,
        out_shape=(out,) * 6,
    )(Sig_p[..., 0, 0], Sig_p[..., 1, 0], Sig_p[..., 1, 1],
      Sig_p[..., 2, 0], Sig_p[..., 2, 1], Sig_p[..., 2, 2])


def _refine_body(m0c_ref, m0r_ref, mupr_ref, logpi_ref, maskp_ref, nmask_ref,
                 s_ref, s0_ref, sig_ref, w_ref):
    N = m0c_ref.shape[0]
    K = logpi_ref.shape[1]
    xc = m0c_ref[:, 0:1]
    yc = m0c_ref[:, 1:2]
    zc = m0c_ref[:, 2:3]
    xr = m0r_ref[0:1, :]
    yr = m0r_ref[1:2, :]
    zr = m0r_ref[2:3, :]
    dxx = xc - xr
    dyy = yc - yr
    dzz = zc - zr
    d2 = dxx * dxx + dyy * dyy + dzz * dzz
    ii = lax.broadcasted_iota(jnp.int32, (N, N), 0)
    jj = lax.broadcasted_iota(jnp.int32, (N, N), 1)
    nmask = nmask_ref[...]
    valid = (nmask > 0.5) & (ii != jj)
    d2m = jnp.where(valid, d2, 1e10)
    acc = jnp.zeros((N, 1), dtype=jnp.float32)
    for _ in range(FPS_KNN):
        m = jnp.min(d2m, axis=1, keepdims=True)
        pos = jnp.min(jnp.where(d2m == m, jj, N), axis=1, keepdims=True)
        d2m = jnp.where(jj == pos, 1e10, d2m)
        acc = acc + jnp.sqrt(jnp.clip(m, 1e-12))
    spacing = acc * (1.0 / FPS_KNN)
    sigma = jnp.clip(ALPHA * spacing, SFLOOR, SCEIL)
    sig_ref[...] = sigma.reshape(1, N)

    mx = mupr_ref[0:1, :]
    my = mupr_ref[1:2, :]
    mz = mupr_ref[2:3, :]
    ax = xc - mx
    ay = yc - my
    az = zc - mz
    dist2p = ax * ax + ay * ay + az * az
    logits = -dist2p / (2.0 * SIGMA_S**2) + logpi_ref[...]
    logits = jnp.where(maskp_ref[...] > 0.5, logits, -1e9)
    lmax = jnp.max(logits, axis=1, keepdims=True)
    e = jnp.exp(logits - lmax)
    w = e / jnp.sum(e, axis=1, keepdims=True)
    w_ref[...] = w
    s0 = jax.lax.dot_general(w, s_ref[...], (((1,), (0,)), ((), ())),
                             preferred_element_type=jnp.float32)
    s0_ref[...] = s0 * jnp.transpose(nmask)


def _refine_call(m0c, m0r, mupr, logpi, maskp, nmask, s_parent):
    B, N, _ = m0c.shape
    K = logpi.shape[2]
    C = s_parent.shape[2]
    grid = (B,)
    bs = lambda shape: pl.BlockSpec((1,) + shape, lambda b: (b,) + (0,) * len(shape))
    out_shapes = (
        jax.ShapeDtypeStruct((B, N, C), jnp.float32),
        jax.ShapeDtypeStruct((B, 1, N), jnp.float32),
        jax.ShapeDtypeStruct((B, N, K), jnp.float32),
    )

    def body(m0c_r, m0r_r, mupr_r, logpi_r, maskp_r, nmask_r, s_r,
             s0_r, sig_r, w_r):
        _refine_body(m0c_r.at[0], m0r_r.at[0], mupr_r.at[0], logpi_r.at[0],
                     maskp_r.at[0], nmask_r.at[0], s_r.at[0],
                     s0_r.at[0], sig_r.at[0], w_r.at[0])

    return pl.pallas_call(
        body,
        grid=grid,
        in_specs=[bs((N, 3)), bs((3, N)), bs((3, K)), bs((1, K)), bs((1, K)),
                  bs((1, N)), bs((K, C))],
        out_specs=(bs((N, C)), bs((1, N)), bs((N, K))),
        out_shape=out_shapes,
    )(m0c, m0r, mupr, logpi, maskp, nmask, s_parent)


def kernel(s_parent, mu_p, Sig_p, mask_parent, node_mask, occ_parent):
    B, K, C = s_parent.shape
    N = node_mask.shape[1]
    M = OVERSAMPLE_MUL * N
    f = s_parent.dtype

    pi = occ_parent * (mask_parent > 0.5).astype(f)
    pi = pi / jnp.clip(jnp.sum(pi, axis=-1, keepdims=True), 1e-09)
    key = jax.random.key(42)
    k1, k2 = jax.random.split(key)
    u = jax.random.uniform(k1, (B, M), dtype=f)
    cdf = jnp.cumsum(pi, axis=-1)
    Ls = _chol_call(Sig_p)
    eps = jax.random.normal(k2, (B, M, 3), dtype=f)

    mx, my, mz = _sc_sample_fps(u, cdf, eps, mu_p, Ls, N)
    mu0 = jnp.stack([mx, my, mz], axis=-1)
    mu0 = mu0 * node_mask[..., None]

    m0c = mu0
    m0r = jnp.transpose(mu0, (0, 2, 1))
    mupr = jnp.transpose(mu_p, (0, 2, 1))
    logpi = jnp.log(jnp.clip(pi, 1e-09))[:, None, :]
    maskp = mask_parent[:, None, :]
    nmask = node_mask[:, None, :]
    s0, sig, w = _refine_call(m0c, m0r, mupr, logpi, maskp, nmask, s_parent)

    sigma = sig[:, 0, :]
    I3 = jnp.eye(3, dtype=f)[None, None]
    Sig0 = (sigma**2)[..., None, None] * I3
    Sig0 = Sig0 + JITTER * I3 * node_mask[:, :, None, None]
    return s0, mu0, Sig0, w

# --- scband reference (transcript-rebuilt; emitter-appended) ---
"""Pipeline reference for scband-final-coarse-to-fine-densen-sample-igamodule-9182640078987 (READ-ONLY COPY).

The authoritative reference and input builder live on the scoring server;
editing this copy changes nothing except your own understanding.
"""

import jax, jax.numpy as jnp
import numpy as np
from jax import lax

OVERSAMPLE_MUL = 6
FPS_KNN = 4
ALPHA = 0.6
SFLOOR = 0.03
SCEIL = 2.0
SIGMA_S = 1.0
JITTER = 1e-06


def setup_inputs(seed: int = 0) -> dict:
    key = jax.random.key(seed)
    ks = jax.random.split(key, 6)
    B, K, C, N = 8, 256, 128, 512
    s_parent = jax.random.normal(ks[0], (B, K, C), dtype=jnp.float32)
    mu_p = jax.random.normal(ks[1], (B, K, 3), dtype=jnp.float32) * 2.0
    A = jax.random.normal(ks[2], (B, K, 3, 3), dtype=jnp.float32) * 0.3
    Sig_p = jnp.einsum('bkij,bklj->bkil', A, A) + 0.05 * jnp.eye(3, dtype=jnp.float32)[None, None]
    mask_parent = jnp.ones((B, K), dtype=jnp.float32)
    node_mask = jnp.ones((B, N), dtype=jnp.float32)
    occ_parent = jax.random.uniform(ks[3], (B, K), dtype=jnp.float32) + 0.1
    return {'s_parent': s_parent, 'mu_p': mu_p, 'Sig_p': Sig_p,
            'mask_parent': mask_parent, 'node_mask': node_mask, 'occ_parent': occ_parent}


def _forward(s_parent, mu_p, Sig_p, mask_parent, node_mask, occ_parent):
    B, K, C = s_parent.shape
    N = node_mask.shape[1]
    # occupancy prior -> mixture weights pi
    pi = occ_parent * (mask_parent > 0.5).astype(s_parent.dtype)
    pi = pi / jnp.clip(jnp.sum(pi, axis=-1, keepdims=True), 1e-09)
    M = OVERSAMPLE_MUL * N
    key = jax.random.key(42)
    k1, k2 = jax.random.split(key)
    # sample_from_mixture: categorical over parents, then Gaussian via Cholesky
    u = jax.random.uniform(k1, (B, M), dtype=s_parent.dtype)
    cdf = jnp.cumsum(pi, axis=-1)
    comp = jnp.clip(jnp.sum((u[:, :, None] > cdf[:, None, :]).astype(jnp.int32), axis=-1), 0, K - 1)
    L = jnp.linalg.cholesky(Sig_p + 1e-06 * jnp.eye(3, dtype=s_parent.dtype)[None, None])
    eps = jax.random.normal(k2, (B, M, 3), dtype=s_parent.dtype)
    mu_g = jnp.take_along_axis(mu_p, comp[:, :, None], axis=1)
    L_g = jnp.take_along_axis(L, comp[:, :, None, None], axis=1)
    cand_x = mu_g + jnp.einsum('bmij,bmj->bmi', L_g, eps)

    # fps_points_batch: farthest point sampling of N points from M candidates
    def fps_step(carry, _):
        d, last = carry
        p = jnp.take_along_axis(cand_x, last[:, None, None], axis=1)
        dist = jnp.sum((cand_x - p) ** 2, axis=-1)
        d = jnp.minimum(d, dist)
        nxt = jnp.argmax(d, axis=-1).astype(jnp.int32)
        return (d, nxt), last
    init = (jnp.full((B, M), jnp.inf, dtype=s_parent.dtype), jnp.zeros((B,), dtype=jnp.int32))
    _, idxs = lax.scan(fps_step, init, None, length=N)
    idx = jnp.transpose(idxs)  # [B, N]
    mu0 = jnp.take_along_axis(cand_x, idx[:, :, None], axis=1)
    mu0 = mu0 * node_mask[..., None]

    # init_sigma_from_child_spacing: kNN spacing -> isotropic covariance
    d2 = jnp.sum((mu0[:, :, None, :] - mu0[:, None, :, :]) ** 2, axis=-1)
    eyeN = jnp.eye(N, dtype=bool)[None]
    valid = (node_mask[:, None, :] > 0.5) & (~eyeN)
    d2m = jnp.where(valid, d2, 1e10)
    knn = -lax.top_k(-d2m, FPS_KNN)[0]
    spacing = jnp.mean(jnp.sqrt(jnp.clip(knn, 1e-12)), axis=-1)
    sigma = jnp.clip(ALPHA * spacing, SFLOOR, SCEIL)
    I3 = jnp.eye(3, dtype=s_parent.dtype)[None, None]
    Sig0 = (sigma ** 2)[..., None, None] * I3
    Sig0 = Sig0 + JITTER * I3 * node_mask[:, :, None, None]

    # init_semantic_from_mu_to_parents: soft assign children to parents
    dist2p = jnp.sum((mu0[:, :, None, :] - mu_p[:, None, :, :]) ** 2, axis=-1)
    logits = -dist2p / (2.0 * SIGMA_S ** 2) + jnp.log(jnp.clip(pi, 1e-09))[:, None, :]
    logits = jnp.where(mask_parent[:, None, :] > 0.5, logits, -1e9)
    w = jax.nn.softmax(logits, axis=-1)
    s0 = jnp.einsum('bnk,bkc->bnc', w, s_parent)
    s0 = s0 * node_mask[..., None]
    return s0, mu0, Sig0, w


def reference(s_parent, mu_p, Sig_p, mask_parent, node_mask, occ_parent):
    return _forward(s_parent, mu_p, Sig_p, mask_parent, node_mask, occ_parent)

if __name__ == "__main__":
    import jax
    _d = setup_inputs()
    print(jax.jit(kernel)(*tuple(_d.values())))

</pallas_src>

<mosaic_0001>
#map = affine_map<(d0, d1) -> (0, 0)>
module attributes {stable_mosaic.version = 14 : i64} {
  func.func @_sc_sample_fps_body(%arg0: i32, %arg1: i32, %arg2: memref<8x3072xf32, #tpu.memory_space<hbm>>, %arg3: memref<8x256xf32, #tpu.memory_space<hbm>>, %arg4: memref<8x3072xf32, #tpu.memory_space<hbm>>, %arg5: memref<8x3072xf32, #tpu.memory_space<hbm>>, %arg6: memref<8x3072xf32, #tpu.memory_space<hbm>>, %arg7: memref<8x256xf32, #tpu.memory_space<hbm>>, %arg8: memref<8x256xf32, #tpu.memory_space<hbm>>, %arg9: memref<8x256xf32, #tpu.memory_space<hbm>>, %arg10: memref<8x256xf32, #tpu.memory_space<hbm>>, %arg11: memref<8x256xf32, #tpu.memory_space<hbm>>, %arg12: memref<8x256xf32, #tpu.memory_space<hbm>>, %arg13: memref<8x256xf32, #tpu.memory_space<hbm>>, %arg14: memref<8x256xf32, #tpu.memory_space<hbm>>, %arg15: memref<8x256xf32, #tpu.memory_space<hbm>>, %arg16: memref<8x512xf32, #tpu.memory_space<hbm>>, %arg17: memref<8x512xf32, #tpu.memory_space<hbm>>, %arg18: memref<8x512xf32, #tpu.memory_space<hbm>>, %arg19: memref<3072xf32, #tpu.memory_space<vmem>>, %arg20: memref<3072xf32, #tpu.memory_space<vmem>>, %arg21: memref<3072xf32, #tpu.memory_space<vmem>>, %arg22: memref<3072xf32, #tpu.memory_space<vmem>>, %arg23: memref<256xf32, #tpu.memory_space<vmem>>, %arg24: memref<256xf32, #tpu.memory_space<vmem>>, %arg25: memref<256xf32, #tpu.memory_space<vmem>>, %arg26: memref<256xf32, #tpu.memory_space<vmem>>, %arg27: memref<256xf32, #tpu.memory_space<vmem>>, %arg28: memref<256xf32, #tpu.memory_space<vmem>>, %arg29: memref<256xf32, #tpu.memory_space<vmem>>, %arg30: memref<256xf32, #tpu.memory_space<vmem>>, %arg31: memref<256xf32, #tpu.memory_space<vmem>>, %arg32: memref<256xf32, #tpu.memory_space<vmem>>, %arg33: memref<3072xf32, #tpu.memory_space<vmem>>, %arg34: memref<3072xf32, #tpu.memory_space<vmem>>, %arg35: memref<3072xf32, #tpu.memory_space<vmem>>, %arg36: memref<3072xf32, #tpu.memory_space<vmem>>, %arg37: memref<512xf32, #tpu.memory_space<vmem>>, %arg38: memref<512xf32, #tpu.memory_space<vmem>>, %arg39: memref<512xf32, #tpu.memory_space<vmem>>) attributes {dimension_semantics = [#tpu.dimension_semantics<core_parallel>, #tpu.dimension_semantics<subcore_parallel>], iteration_bounds = array<i64: 2, 16>, scalar_prefetch = 0 : i64, scratch_operands = 21 : i64, tpu.core_type = #tpu.core_type<sc_vector_subcore>, window_params = [{transform_indices = #map}, {transform_indices = #map}, {transform_indices = #map}, {transform_indices = #map}, {transform_indices = #map}, {transform_indices = #map}, {transform_indices = #map}, {transform_indices = #map}, {transform_indices = #map}, {transform_indices = #map}, {transform_indices = #map}, {transform_indices = #map}, {transform_indices = #map}, {transform_indices = #map}, {transform_indices = #map}, {transform_indices = #map}, {transform_indices = #map}]} {
    %eq3A = arith.constant 0 : i32
    %eq3A_0 = arith.cmpi eq, %arg0, %eq3A : i32
    %lt3A = arith.constant 8 : i32
    %lt3A_1 = arith.cmpi slt, %arg1, %lt3A : i32
    %and3A = arith.andi %eq3A_0, %lt3A_1 : i1
    %convert_element_type3A = arith.extui %and3A : i1 to i32
    %cond3A = arith.constant 0 : i32
    %cond3A_2 = arith.cmpi ne, %convert_element_type3A, %cond3A : i32
    scf.if %cond3A_2 {
      "tpu.region"() ({
        %run_scoped3A = tpu.sem_alloc : memref<!tpu.dma_semaphore, #tpu.memory_space<semaphore_mem>>
        %dma_start3A = arith.constant 0 : i32
        %dma_start3A_18 = tpu.memref_slice %arg2[%arg1, %dma_start3A] : memref<8x3072xf32, #tpu.memory_space<hbm>> -> memref<1x3072xf32, #tpu.memory_space<hbm>>
        %dma_start3A_19 = tpu.memref_squeeze %dma_start3A_18 : memref<1x3072xf32, #tpu.memory_space<hbm>> -> memref<3072xf32, #tpu.memory_space<hbm>>
        %dma_start3A_20 = arith.constant 0 : i32
        %dma_start3A_21 = tpu.memref_slice %arg2[%arg1, %dma_start3A_20] : memref<8x3072xf32, #tpu.memory_space<hbm>> -> memref<1x3072xf32, #tpu.memory_space<hbm>>
        %dma_start3A_22 = tpu.memref_squeeze %dma_start3A_21 : memref<1x3072xf32, #tpu.memory_space<hbm>> -> memref<3072xf32, #tpu.memory_space<hbm>>
        tpu.enqueue_dma source(%dma_start3A_22 : memref<3072xf32, #tpu.memory_space<hbm>>) target(%arg19 : memref<3072xf32, #tpu.memory_space<vmem>>) target_semaphore(%run_scoped3A : memref<!tpu.dma_semaphore, #tpu.memory_space<semaphore_mem>>)
        %dma_wait3A = arith.constant 0 : i32
        %dma_wait3A_23 = tpu.memref_slice %arg2[%arg1, %dma_wait3A] : memref<8x3072xf32, #tpu.memory_space<hbm>> -> memref<1x3072xf32, #tpu.memory_space<hbm>>
        %dma_wait3A_24 = tpu.memref_squeeze %dma_wait3A_23 : memref<1x3072xf32, #tpu.memory_space<hbm>> -> memref<3072xf32, #tpu.memory_space<hbm>>
        %dma_wait3A_25 = arith.constant 0 : i32
        %dma_wait3A_26 = tpu.memref_slice %arg2[%arg1, %dma_wait3A_25] : memref<8x3072xf32, #tpu.memory_space<hbm>> -> memref<1x3072xf32, #tpu.memory_space<hbm>>
        %dma_wait3A_27 = tpu.memref_squeeze %dma_wait3A_26 : memref<1x3072xf32, #tpu.memory_space<hbm>> -> memref<3072xf32, #tpu.memory_space<hbm>>
        tpu.wait_dma2 semaphore(%run_scoped3A : memref<!tpu.dma_semaphore, #tpu.memory_space<semaphore_mem>>) src(%dma_wait3A_27 : memref<3072xf32, #tpu.memory_space<hbm>>) dst(%arg19 : memref<3072xf32, #tpu.memory_space<vmem>>)
        tpu.yield
      }) : () -> ()
      "tpu.region"() ({
        %run_scoped3A = tpu.sem_alloc : memref<!tpu.dma_semaphore, #tpu.memory_space<semaphore_mem>>
        %dma_start3A = arith.constant 0 : i32
        %dma_start3A_18 = tpu.memref_slice %arg3[%arg1, %dma_start3A] : memref<8x256xf32, #tpu.memory_space<hbm>> -> memref<1x256xf32, #tpu.memory_space<hbm>>
        %dma_start3A_19 = tpu.memref_squeeze %dma_start3A_18 : memref<1x256xf32, #tpu.memory_space<hbm>> -> memref<256xf32, #tpu.memory_space<hbm>>
        %dma_start3A_20 = arith.constant 0 : i32
        %dma_start3A_21 = tpu.memref_slice %arg3[%arg1, %dma_start3A_20] : memref<8x256xf32, #tpu.memory_space<hbm>> -> memref<1x256xf32, #tpu.memory_space<hbm>>
        %dma_start3A_22 = tpu.memref_squeeze %dma_start3A_21 : memref<1x256xf32, #tpu.memory_space<hbm>> -> memref<256xf32, #tpu.memory_space<hbm>>
        tpu.enqueue_dma source(%dma_start3A_22 : memref<256xf32, #tpu.memory_space<hbm>>) target(%arg23 : memref<256xf32, #tpu.memory_space<vmem>>) target_semaphore(%run_scoped3A : memref<!tpu.dma_semaphore, #tpu.memory_space<semaphore_mem>>)
        %dma_wait3A = arith.constant 0 : i32
        %dma_wait3A_23 = tpu.memref_slice %arg3[%arg1, %dma_wait3A] : memref<8x256xf32, #tpu.memory_space<hbm>> -> memref<1x256xf32, #tpu.memory_space<hbm>>
        %dma_wait3A_24 = tpu.memref_squeeze %dma_wait3A_23 : memref<1x256xf32, #tpu.memory_space<hbm>> -> memref<256xf32, #tpu.memory_space<hbm>>
        %dma_wait3A_25 = arith.constant 0 : i32
        %dma_wait3A_26 = tpu.memref_slice %arg3[%arg1, %dma_wait3A_25] : memref<8x256xf32, #tpu.memory_space<hbm>> -> memref<1x256xf32, #tpu.memory_space<hbm>>
        %dma_wait3A_27 = tpu.memref_squeeze %dma_wait3A_26 : memref<1x256xf32, #tpu.memory_space<hbm>> -> memref<256xf32, #tpu.memory_space<hbm>>
        tpu.wait_dma2 semaphore(%run_scoped3A : memref<!tpu.dma_semaphore, #tpu.memory_space<semaphore_mem>>) src(%dma_wait3A_27 : memref<256xf32, #tpu.memory_space<hbm>>) dst(%arg23 : memref<256xf32, #tpu.memory_space<vmem>>)
        tpu.yield
      }) : () -> ()
      "tpu.region"() ({
        %run_scoped3A = tpu.sem_alloc : memref<!tpu.dma_semaphore, #tpu.memory_space<semaphore_mem>>
        %dma_start3A = arith.constant 0 : i32
        %dma_start3A_18 = tpu.memref_slice %arg4[%arg1, %dma_start3A] : memref<8x3072xf32, #tpu.memory_space<hbm>> -> memref<1x3072xf32, #tpu.memory_space<hbm>>
        %dma_start3A_19 = tpu.memref_squeeze %dma_start3A_18 : memref<1x3072xf32, #tpu.memory_space<hbm>> -> memref<3072xf32, #tpu.memory_space<hbm>>
        %dma_start3A_20 = arith.constant 0 : i32
        %dma_start3A_21 = tpu.memref_slice %arg4[%arg1, %dma_start3A_20] : memref<8x3072xf32, #tpu.memory_space<hbm>> -> memref<1x3072xf32, #tpu.memory_space<hbm>>
        %dma_start3A_22 = tpu.memref_squeeze %dma_start3A_21 : memref<1x3072xf32, #tpu.memory_space<hbm>> -> memref<3072xf32, #tpu.memory_space<hbm>>
        tpu.enqueue_dma source(%dma_start3A_22 : memref<3072xf32, #tpu.memory_space<hbm>>) target(%arg20 : memref<3072xf32, #tpu.memory_space<vmem>>) target_semaphore(%run_scoped3A : memref<!tpu.dma_semaphore, #tpu.memory_space<semaphore_mem>>)
        %dma_wait3A = arith.constant 0 : i32
        %dma_wait3A_23 = tpu.memref_slice %arg4[%arg1, %dma_wait3A] : memref<8x3072xf32, #tpu.memory_space<hbm>> -> memref<1x3072xf32, #tpu.memory_space<hbm>>
        %dma_wait3A_24 = tpu.memref_squeeze %dma_wait3A_23 : memref<1x3072xf32, #tpu.memory_space<hbm>> -> memref<3072xf32, #tpu.memory_space<hbm>>
        %dma_wait3A_25 = arith.constant 0 : i32
        %dma_wait3A_26 = tpu.memref_slice %arg4[%arg1, %dma_wait3A_25] : memref<8x3072xf32, #tpu.memory_space<hbm>> -> memref<1x3072xf32, #tpu.memory_space<hbm>>
        %dma_wait3A_27 = tpu.memref_squeeze %dma_wait3A_26 : memref<1x3072xf32, #tpu.memory_space<hbm>> -> memref<3072xf32, #tpu.memory_space<hbm>>
        tpu.wait_dma2 semaphore(%run_scoped3A : memref<!tpu.dma_semaphore, #tpu.memory_space<semaphore_mem>>) src(%dma_wait3A_27 : memref<3072xf32, #tpu.memory_space<hbm>>) dst(%arg20 : memref<3072xf32, #tpu.memory_space<vmem>>)
        tpu.yield
      }) : () -> ()
      "tpu.region"() ({
        %run_scoped3A = tpu.sem_alloc : memref<!tpu.dma_semaphore, #tpu.memory_space<semaphore_mem>>
        %dma_start3A = arith.constant 0 : i32
        %dma_start3A_18 = tpu.memref_slice %arg5[%arg1, %dma_start3A] : memref<8x3072xf32, #tpu.memory_space<hbm>> -> memref<1x3072xf32, #tpu.memory_space<hbm>>
        %dma_start3A_19 = tpu.memref_squeeze %dma_start3A_18 : memref<1x3072xf32, #tpu.memory_space<hbm>> -> memref<3072xf32, #tpu.memory_space<hbm>>
        %dma_start3A_20 = arith.constant 0 : i32
        %dma_start3A_21 = tpu.memref_slice %arg5[%arg1, %dma_start3A_20] : memref<8x3072xf32, #tpu.memory_space<hbm>> -> memref<1x3072xf32, #tpu.memory_space<hbm>>
        %dma_start3A_22 = tpu.memref_squeeze %dma_start3A_21 : memref<1x3072xf32, #tpu.memory_space<hbm>> -> memref<3072xf32, #tpu.memory_space<hbm>>
        tpu.enqueue_dma source(%dma_start3A_22 : memref<3072xf32, #tpu.memory_space<hbm>>) target(%arg21 : memref<3072xf32, #tpu.memory_space<vmem>>) target_semaphore(%run_scoped3A : memref<!tpu.dma_semaphore, #tpu.memory_space<semaphore_mem>>)
        %dma_wait3A = arith.constant 0 : i32
        %dma_wait3A_23 = tpu.memref_slice %arg5[%arg1, %dma_wait3A] : memref<8x3072xf32, #tpu.memory_space<hbm>> -> memref<1x3072xf32, #tpu.memory_space<hbm>>
        %dma_wait3A_24 = tpu.memref_squeeze %dma_wait3A_23 : memref<1x3072xf32, #tpu.memory_space<hbm>> -> memref<3072xf32, #tpu.memory_space<hbm>>
        %dma_wait3A_25 = arith.constant 0 : i32
        %dma_wait3A_26 = tpu.memref_slice %arg5[%arg1, %dma_wait3A_25] : memref<8x3072xf32, #tpu.memory_space<hbm>> -> memref<1x3072xf32, #tpu.memory_space<hbm>>
        %dma_wait3A_27 = tpu.memref_squeeze %dma_wait3A_26 : memref<1x3072xf32, #tpu.memory_space<hbm>> -> memref<3072xf32, #tpu.memory_space<hbm>>
        tpu.wait_dma2 semaphore(%run_scoped3A : memref<!tpu.dma_semaphore, #tpu.memory_space<semaphore_mem>>) src(%dma_wait3A_27 : memref<3072xf32, #tpu.memory_space<hbm>>) dst(%arg21 : memref<3072xf32, #tpu.memory_space<vmem>>)
        tpu.yield
      }) : () -> ()
      "tpu.region"() ({
        %run_scoped3A = tpu.sem_alloc : memref<!tpu.dma_semaphore, #tpu.memory_space<semaphore_mem>>
        %dma_start3A = arith.constant 0 : i32
        %dma_start3A_18 = tpu.memref_slice %arg6[%arg1, %dma_start3A] : memref<8x3072xf32, #tpu.memory_space<hbm>> -> memref<1x3072xf32, #tpu.memory_space<hbm>>
        %dma_start3A_19 = tpu.memref_squeeze %dma_start3A_18 : memref<1x3072xf32, #tpu.memory_space<hbm>> -> memref<3072xf32, #tpu.memory_space<hbm>>
        %dma_start3A_20 = arith.constant 0 : i32
        %dma_start3A_21 = tpu.memref_slice %arg6[%arg1, %dma_start3A_20] : memref<8x3072xf32, #tpu.memory_space<hbm>> -> memref<1x3072xf32, #tpu.memory_space<hbm>>
        %dma_start3A_22 = tpu.memref_squeeze %dma_start3A_21 : memref<1x3072xf32, #tpu.memory_space<hbm>> -> memref<3072xf32, #tpu.memory_space<hbm>>
        tpu.enqueue_dma source(%dma_start3A_22 : memref<3072xf32, #tpu.memory_space<hbm>>) target(%arg22 : memref<3072xf32, #tpu.memory_space<vmem>>) target_semaphore(%run_scoped3A : memref<!tpu.dma_semaphore, #tpu.memory_space<semaphore_mem>>)
        %dma_wait3A = arith.constant 0 : i32
        %dma_wait3A_23 = tpu.memref_slice %arg6[%arg1, %dma_wait3A] : memref<8x3072xf32, #tpu.memory_space<hbm>> -> memref<1x3072xf32, #tpu.memory_space<hbm>>
        %dma_wait3A_24 = tpu.memref_squeeze %dma_wait3A_23 : memref<1x3072xf32, #tpu.memory_space<hbm>> -> memref<3072xf32, #tpu.memory_space<hbm>>
        %dma_wait3A_25 = arith.constant 0 : i32
        %dma_wait3A_26 = tpu.memref_slice %arg6[%arg1, %dma_wait3A_25] : memref<8x3072xf32, #tpu.memory_space<hbm>> -> memref<1x3072xf32, #tpu.memory_space<hbm>>
        %dma_wait3A_27 = tpu.memref_squeeze %dma_wait3A_26 : memref<1x3072xf32, #tpu.memory_space<hbm>> -> memref<3072xf32, #tpu.memory_space<hbm>>
        tpu.wait_dma2 semaphore(%run_scoped3A : memref<!tpu.dma_semaphore, #tpu.memory_space<semaphore_mem>>) src(%dma_wait3A_27 : memref<3072xf32, #tpu.memory_space<hbm>>) dst(%arg22 : memref<3072xf32, #tpu.memory_space<vmem>>)
        tpu.yield
      }) : () -> ()
      "tpu.region"() ({
        %run_scoped3A = tpu.sem_alloc : memref<!tpu.dma_semaphore, #tpu.memory_space<semaphore_mem>>
        %dma_start3A = arith.constant 0 : i32
        %dma_start3A_18 = tpu.memref_slice %arg7[%arg1, %dma_start3A] : memref<8x256xf32, #tpu.memory_space<hbm>> -> memref<1x256xf32, #tpu.memory_space<hbm>>
        %dma_start3A_19 = tpu.memref_squeeze %dma_start3A_18 : memref<1x256xf32, #tpu.memory_space<hbm>> -> memref<256xf32, #tpu.memory_space<hbm>>
        %dma_start3A_20 = arith.constant 0 : i32
        %dma_start3A_21 = tpu.memref_slice %arg7[%arg1, %dma_start3A_20] : memref<8x256xf32, #tpu.memory_space<hbm>> -> memref<1x256xf32, #tpu.memory_space<hbm>>
        %dma_start3A_22 = tpu.memref_squeeze %dma_start3A_21 : memref<1x256xf32, #tpu.memory_space<hbm>> -> memref<256xf32, #tpu.memory_space<hbm>>
        tpu.enqueue_dma source(%dma_start3A_22 : memref<256xf32, #tpu.memory_space<hbm>>) target(%arg24 : memref<256xf32, #tpu.memory_space<vmem>>) target_semaphore(%run_scoped3A : memref<!tpu.dma_semaphore, #tpu.memory_space<semaphore_mem>>)
        %dma_wait3A = arith.constant 0 : i32
        %dma_wait3A_23 = tpu.memref_slice %arg7[%arg1, %dma_wait3A] : memref<8x256xf32, #tpu.memory_space<hbm>> -> memref<1x256xf32, #tpu.memory_space<hbm>>
        %dma_wait3A_24 = tpu.memref_squeeze %dma_wait3A_23 : memref<1x256xf32, #tpu.memory_space<hbm>> -> memref<256xf32, #tpu.memory_space<hbm>>
        %dma_wait3A_25 = arith.constant 0 : i32
        %dma_wait3A_26 = tpu.memref_slice %arg7[%arg1, %dma_wait3A_25] : memref<8x256xf32, #tpu.memory_space<hbm>> -> memref<1x256xf32, #tpu.memory_space<hbm>>
        %dma_wait3A_27 = tpu.memref_squeeze %dma_wait3A_26 : memref<1x256xf32, #tpu.memory_space<hbm>> -> memref<256xf32, #tpu.memory_space<hbm>>
        tpu.wait_dma2 semaphore(%run_scoped3A : memref<!tpu.dma_semaphore, #tpu.memory_space<semaphore_mem>>) src(%dma_wait3A_27 : memref<256xf32, #tpu.memory_space<hbm>>) dst(%arg24 : memref<256xf32, #tpu.memory_space<vmem>>)
        tpu.yield
      }) : () -> ()
      "tpu.region"() ({
        %run_scoped3A = tpu.sem_alloc : memref<!tpu.dma_semaphore, #tpu.memory_space<semaphore_mem>>
        %dma_start3A = arith.constant 0 : i32
        %dma_start3A_18 = tpu.memref_slice %arg8[%arg1, %dma_start3A] : memref<8x256xf32, #tpu.memory_space<hbm>> -> memref<1x256xf32, #tpu.memory_space<hbm>>
        %dma_start3A_19 = tpu.memref_squeeze %dma_start3A_18 : memref<1x256xf32, #tpu.memory_space<hbm>> -> memref<256xf32, #tpu.memory_space<hbm>>
        %dma_start3A_20 = arith.constant 0 : i32
        %dma_start3A_21 = tpu.memref_slice %arg8[%arg1, %dma_start3A_20] : memref<8x256xf32, #tpu.memory_space<hbm>> -> memref<1x256xf32, #tpu.memory_space<hbm>>
        %dma_start3A_22 = tpu.memref_squeeze %dma_start3A_21 : memref<1x256xf32, #tpu.memory_space<hbm>> -> memref<256xf32, #tpu.memory_space<hbm>>
        tpu.enqueue_dma source(%dma_start3A_22 : memref<256xf32, #tpu.memory_space<hbm>>) target(%arg25 : memref<256xf32, #tpu.memory_space<vmem>>) target_semaphore(%run_scoped3A : memref<!tpu.dma_semaphore, #tpu.memory_space<semaphore_mem>>)
        %dma_wait3A = arith.constant 0 : i32
        %dma_wait3A_23 = tpu.memref_slice %arg8[%arg1, %dma_wait3A] : memref<8x256xf32, #tpu.memory_space<hbm>> -> memref<1x256xf32, #tpu.memory_space<hbm>>
        %dma_wait3A_24 = tpu.memref_squeeze %dma_wait3A_23 : memref<1x256xf32, #tpu.memory_space<hbm>> -> memref<256xf32, #tpu.memory_space<hbm>>
        %dma_wait3A_25 = arith.constant 0 : i32
        %dma_wait3A_26 = tpu.memref_slice %arg8[%arg1, %dma_wait3A_25] : memref<8x256xf32, #tpu.memory_space<hbm>> -> memref<1x256xf32, #tpu.memory_space<hbm>>
        %dma_wait3A_27 = tpu.memref_squeeze %dma_wait3A_26 : memref<1x256xf32, #tpu.memory_space<hbm>> -> memref<256xf32, #tpu.memory_space<hbm>>
        tpu.wait_dma2 semaphore(%run_scoped3A : memref<!tpu.dma_semaphore, #tpu.memory_space<semaphore_mem>>) src(%dma_wait3A_27 : memref<256xf32, #tpu.memory_space<hbm>>) dst(%arg25 : memref<256xf32, #tpu.memory_space<vmem>>)
        tpu.yield
      }) : () -> ()
      "tpu.region"() ({
        %run_scoped3A = tpu.sem_alloc : memref<!tpu.dma_semaphore, #tpu.memory_space<semaphore_mem>>
        %dma_start3A = arith.constant 0 : i32
        %dma_start3A_18 = tpu.memref_slice %arg9[%arg1, %dma_start3A] : memref<8x256xf32, #tpu.memory_space<hbm>> -> memref<1x256xf32, #tpu.memory_space<hbm>>
        %dma_start3A_19 = tpu.memref_squeeze %dma_start3A_18 : memref<1x256xf32, #tpu.memory_space<hbm>> -> memref<256xf32, #tpu.memory_space<hbm>>
        %dma_start3A_20 = arith.constant 0 : i32
        %dma_start3A_21 = tpu.memref_slice %arg9[%arg1, %dma_start3A_20] : memref<8x256xf32, #tpu.memory_space<hbm>> -> memref<1x256xf32, #tpu.memory_space<hbm>>
        %dma_start3A_22 = tpu.memref_squeeze %dma_start3A_21 : memref<1x256xf32, #tpu.memory_space<hbm>> -> memref<256xf32, #tpu.memory_space<hbm>>
        tpu.enqueue_dma source(%dma_start3A_22 : memref<256xf32, #tpu.memory_space<hbm>>) target(%arg26 : memref<256xf32, #tpu.memory_space<vmem>>) target_semaphore(%run_scoped3A : memref<!tpu.dma_semaphore, #tpu.memory_space<semaphore_mem>>)
        %dma_wait3A = arith.constant 0 : i32
        %dma_wait3A_23 = tpu.memref_slice %arg9[%arg1, %dma_wait3A] : memref<8x256xf32, #tpu.memory_space<hbm>> -> memref<1x256xf32, #tpu.memory_space<hbm>>
        %dma_wait3A_24 = tpu.memref_squeeze %dma_wait3A_23 : memref<1x256xf32, #tpu.memory_space<hbm>> -> memref<256xf32, #tpu.memory_space<hbm>>
        %dma_wait3A_25 = arith.constant 0 : i32
        %dma_wait3A_26 = tpu.memref_slice %arg9[%arg1, %dma_wait3A_25] : memref<8x256xf32, #tpu.memory_space<hbm>> -> memref<1x256xf32, #tpu.memory_space<hbm>>
        %dma_wait3A_27 = tpu.memref_squeeze %dma_wait3A_26 : memref<1x256xf32, #tpu.memory_space<hbm>> -> memref<256xf32, #tpu.memory_space<hbm>>
        tpu.wait_dma2 semaphore(%run_scoped3A : memref<!tpu.dma_semaphore, #tpu.memory_space<semaphore_mem>>) src(%dma_wait3A_27 : memref<256xf32, #tpu.memory_space<hbm>>) dst(%arg26 : memref<256xf32, #tpu.memory_space<vmem>>)
        tpu.yield
      }) : () -> ()
      "tpu.region"() ({
        %run_scoped3A = tpu.sem_alloc : memref<!tpu.dma_semaphore, #tpu.memory_space<semaphore_mem>>
        %dma_start3A = arith.constant 0 : i32
        %dma_start3A_18 = tpu.memref_slice %arg10[%arg1, %dma_start3A] : memref<8x256xf32, #tpu.memory_space<hbm>> -> memref<1x256xf32, #tpu.memory_space<hbm>>
        %dma_start3A_19 = tpu.memref_squeeze %dma_start3A_18 : memref<1x256xf32, #tpu.memory_space<hbm>> -> memref<256xf32, #tpu.memory_space<hbm>>
        %dma_start3A_20 = arith.constant 0 : i32
        %dma_start3A_21 = tpu.memref_slice %arg10[%arg1, %dma_start3A_20] : memref<8x256xf32, #tpu.memory_space<hbm>> -> memref<1x256xf32, #tpu.memory_space<hbm>>
        %dma_start3A_22 = tpu.memref_squeeze %dma_start3A_21 : memref<1x256xf32, #tpu.memory_space<hbm>> -> memref<256xf32, #tpu.memory_space<hbm>>
        tpu.enqueue_dma source(%dma_start3A_22 : memref<256xf32, #tpu.memory_space<hbm>>) target(%arg27 : memref<256xf32, #tpu.memory_space<vmem>>) target_semaphore(%run_scoped3A : memref<!tpu.dma_semaphore, #tpu.memory_space<semaphore_mem>>)
        %dma_wait3A = arith.constant 0 : i32
        %dma_wait3A_23 = tpu.memref_slice %arg10[%arg1, %dma_wait3A] : memref<8x256xf32, #tpu.memory_space<hbm>> -> memref<1x256xf32, #tpu.memory_space<hbm>>
        %dma_wait3A_24 = tpu.memref_squeeze %dma_wait3A_23 : memref<1x256xf32, #tpu.memory_space<hbm>> -> memref<256xf32, #tpu.memory_space<hbm>>
        %dma_wait3A_25 = arith.constant 0 : i32
        %dma_wait3A_26 = tpu.memref_slice %arg10[%arg1, %dma_wait3A_25] : memref<8x256xf32, #tpu.memory_space<hbm>> -> memref<1x256xf32, #tpu.memory_space<hbm>>
        %dma_wait3A_27 = tpu.memref_squeeze %dma_wait3A_26 : memref<1x256xf32, #tpu.memory_space<hbm>> -> memref<256xf32, #tpu.memory_space<hbm>>
        tpu.wait_dma2 semaphore(%run_scoped3A : memref<!tpu.dma_semaphore, #tpu.memory_space<semaphore_mem>>) src(%dma_wait3A_27 : memref<256xf32, #tpu.memory_space<hbm>>) dst(%arg27 : memref<256xf32, #tpu.memory_space<vmem>>)
        tpu.yield
      }) : () -> ()
      "tpu.region"() ({
        %run_scoped3A = tpu.sem_alloc : memref<!tpu.dma_semaphore, #tpu.memory_space<semaphore_mem>>
        %dma_start3A = arith.constant 0 : i32
        %dma_start3A_18 = tpu.memref_slice %arg11[%arg1, %dma_start3A] : memref<8x256xf32, #tpu.memory_space<hbm>> -> memref<1x256xf32, #tpu.memory_space<hbm>>
        %dma_start3A_19 = tpu.memref_squeeze %dma_start3A_18 : memref<1x256xf32, #tpu.memory_space<hbm>> -> memref<256xf32, #tpu.memory_space<hbm>>
        %dma_start3A_20 = arith.constant 0 : i32
        %dma_start3A_21 = tpu.memref_slice %arg11[%arg1, %dma_start3A_20] : memref<8x256xf32, #tpu.memory_space<hbm>> -> memref<1x256xf32, #tpu.memory_space<hbm>>
        %dma_start3A_22 = tpu.memref_squeeze %dma_start3A_21 : memref<1x256xf32, #tpu.memory_space<hbm>> -> memref<256xf32, #tpu.memory_space<hbm>>
        tpu.enqueue_dma source(%dma_start3A_22 : memref<256xf32, #tpu.memory_space<hbm>>) target(%arg28 : memref<256xf32, #tpu.memory_space<vmem>>) target_semaphore(%run_scoped3A : memref<!tpu.dma_semaphore, #tpu.memory_space<semaphore_mem>>)
        %dma_wait3A = arith.constant 0 : i32
        %dma_wait3A_23 = tpu.memref_slice %arg11[%arg1, %dma_wait3A] : memref<8x256xf32, #tpu.memory_space<hbm>> -> memref<1x256xf32, #tpu.memory_space<hbm>>
        %dma_wait3A_24 = tpu.memref_squeeze %dma_wait3A_23 : memref<1x256xf32, #tpu.memory_space<hbm>> -> memref<256xf32, #tpu.memory_space<hbm>>
        %dma_wait3A_25 = arith.constant 0 : i32
        %dma_wait3A_26 = tpu.memref_slice %arg11[%arg1, %dma_wait3A_25] : memref<8x256xf32, #tpu.memory_space<hbm>> -> memref<1x256xf32, #tpu.memory_space<hbm>>
        %dma_wait3A_27 = tpu.memref_squeeze %dma_wait3A_26 : memref<1x256xf32, #tpu.memory_space<hbm>> -> memref<256xf32, #tpu.memory_space<hbm>>
        tpu.wait_dma2 semaphore(%run_scoped3A : memref<!tpu.dma_semaphore, #tpu.memory_space<semaphore_mem>>) src(%dma_wait3A_27 : memref<256xf32, #tpu.memory_space<hbm>>) dst(%arg28 : memref<256xf32, #tpu.memory_space<vmem>>)
        tpu.yield
      }) : () -> ()
      "tpu.region"() ({
        %run_scoped3A = tpu.sem_alloc : memref<!tpu.dma_semaphore, #tpu.memory_space<semaphore_mem>>
        %dma_start3A = arith.constant 0 : i32
        %dma_start3A_18 = tpu.memref_slice %arg12[%arg1, %dma_start3A] : memref<8x256xf32, #tpu.memory_space<hbm>> -> memref<1x256xf32, #tpu.memory_space<hbm>>
        %dma_start3A_19 = tpu.memref_squeeze %dma_start3A_18 : memref<1x256xf32, #tpu.memory_space<hbm>> -> memref<256xf32, #tpu.memory_space<hbm>>
        %dma_start3A_20 = arith.constant 0 : i32
        %dma_start3A_21 = tpu.memref_slice %arg12[%arg1, %dma_start3A_20] : memref<8x256xf32, #tpu.memory_space<hbm>> -> memref<1x256xf32, #tpu.memory_space<hbm>>
        %dma_start3A_22 = tpu.memref_squeeze %dma_start3A_21 : memref<1x256xf32, #tpu.memory_space<hbm>> -> memref<256xf32, #tpu.memory_space<hbm>>
        tpu.enqueue_dma source(%dma_start3A_22 : memref<256xf32, #tpu.memory_space<hbm>>) target(%arg29 : memref<256xf32, #tpu.memory_space<vmem>>) target_semaphore(%run_scoped3A : memref<!tpu.dma_semaphore, #tpu.memory_space<semaphore_mem>>)
        %dma_wait3A = arith.constant 0 : i32
        %dma_wait3A_23 = tpu.memref_slice %arg12[%arg1, %dma_wait3A] : memref<8x256xf32, #tpu.memory_space<hbm>> -> memref<1x256xf32, #tpu.memory_space<hbm>>
        %dma_wait3A_24 = tpu.memref_squeeze %dma_wait3A_23 : memref<1x256xf32, #tpu.memory_space<hbm>> -> memref<256xf32, #tpu.memory_space<hbm>>
        %dma_wait3A_25 = arith.constant 0 : i32
        %dma_wait3A_26 = tpu.memref_slice %arg12[%arg1, %dma_wait3A_25] : memref<8x256xf32, #tpu.memory_space<hbm>> -> memref<1x256xf32, #tpu.memory_space<hbm>>
        %dma_wait3A_27 = tpu.memref_squeeze %dma_wait3A_26 : memref<1x256xf32, #tpu.memory_space<hbm>> -> memref<256xf32, #tpu.memory_space<hbm>>
        tpu.wait_dma2 semaphore(%run_scoped3A : memref<!tpu.dma_semaphore, #tpu.memory_space<semaphore_mem>>) src(%dma_wait3A_27 : memref<256xf32, #tpu.memory_space<hbm>>) dst(%arg29 : memref<256xf32, #tpu.memory_space<vmem>>)
        tpu.yield
      }) : () -> ()
      "tpu.region"() ({
        %run_scoped3A = tpu.sem_alloc : memref<!tpu.dma_semaphore, #tpu.memory_space<semaphore_mem>>
        %dma_start3A = arith.constant 0 : i32
        %dma_start3A_18 = tpu.memref_slice %arg13[%arg1, %dma_start3A] : memref<8x256xf32, #tpu.memory_space<hbm>> -> memref<1x256xf32, #tpu.memory_space<hbm>>
        %dma_start3A_19 = tpu.memref_squeeze %dma_start3A_18 : memref<1x256xf32, #tpu.memory_space<hbm>> -> memref<256xf32, #tpu.memory_space<hbm>>
        %dma_start3A_20 = arith.constant 0 : i32
        %dma_start3A_21 = tpu.memref_slice %arg13[%arg1, %dma_start3A_20] : memref<8x256xf32, #tpu.memory_space<hbm>> -> memref<1x256xf32, #tpu.memory_space<hbm>>
        %dma_start3A_22 = tpu.memref_squeeze %dma_start3A_21 : memref<1x256xf32, #tpu.memory_space<hbm>> -> memref<256xf32, #tpu.memory_space<hbm>>
        tpu.enqueue_dma source(%dma_start3A_22 : memref<256xf32, #tpu.memory_space<hbm>>) target(%arg30 : memref<256xf32, #tpu.memory_space<vmem>>) target_semaphore(%run_scoped3A : memref<!tpu.dma_semaphore, #tpu.memory_space<semaphore_mem>>)
        %dma_wait3A = arith.constant 0 : i32
        %dma_wait3A_23 = tpu.memref_slice %arg13[%arg1, %dma_wait3A] : memref<8x256xf32, #tpu.memory_space<hbm>> -> memref<1x256xf32, #tpu.memory_space<hbm>>
        %dma_wait3A_24 = tpu.memref_squeeze %dma_wait3A_23 : memref<1x256xf32, #tpu.memory_space<hbm>> -> memref<256xf32, #tpu.memory_space<hbm>>
        %dma_wait3A_25 = arith.constant 0 : i32
        %dma_wait3A_26 = tpu.memref_slice %arg13[%arg1, %dma_wait3A_25] : memref<8x256xf32, #tpu.memory_space<hbm>> -> memref<1x256xf32, #tpu.memory_space<hbm>>
        %dma_wait3A_27 = tpu.memref_squeeze %dma_wait3A_26 : memref<1x256xf32, #tpu.memory_space<hbm>> -> memref<256xf32, #tpu.memory_space<hbm>>
        tpu.wait_dma2 semaphore(%run_scoped3A : memref<!tpu.dma_semaphore, #tpu.memory_space<semaphore_mem>>) src(%dma_wait3A_27 : memref<256xf32, #tpu.memory_space<hbm>>) dst(%arg30 : memref<256xf32, #tpu.memory_space<vmem>>)
        tpu.yield
      }) : () -> ()
      "tpu.region"() ({
        %run_scoped3A = tpu.sem_alloc : memref<!tpu.dma_semaphore, #tpu.memory_space<semaphore_mem>>
        %dma_start3A = arith.constant 0 : i32
        %dma_start3A_18 = tpu.memref_slice %arg14[%arg1, %dma_start3A] : memref<8x256xf32, #tpu.memory_space<hbm>> -> memref<1x256xf32, #tpu.memory_space<hbm>>
        %dma_start3A_19 = tpu.memref_squeeze %dma_start3A_18 : memref<1x256xf32, #tpu.memory_space<hbm>> -> memref<256xf32, #tpu.memory_space<hbm>>
        %dma_start3A_20 = arith.constant 0 : i32
        %dma_start3A_21 = tpu.memref_slice %arg14[%arg1, %dma_start3A_20] : memref<8x256xf32, #tpu.memory_space<hbm>> -> memref<1x256xf32, #tpu.memory_space<hbm>>
        %dma_start3A_22 = tpu.memref_squeeze %dma_start3A_21 : memref<1x256xf32, #tpu.memory_space<hbm>> -> memref<256xf32, #tpu.memory_space<hbm>>
        tpu.enqueue_dma source(%dma_start3A_22 : memref<256xf32, #tpu.memory_space<hbm>>) target(%arg31 : memref<256xf32, #tpu.memory_space<vmem>>) target_semaphore(%run_scoped3A : memref<!tpu.dma_semaphore, #tpu.memory_space<semaphore_mem>>)
        %dma_wait3A = arith.constant 0 : i32
        %dma_wait3A_23 = tpu.memref_slice %arg14[%arg1, %dma_wait3A] : memref<8x256xf32, #tpu.memory_space<hbm>> -> memref<1x256xf32, #tpu.memory_space<hbm>>
        %dma_wait3A_24 = tpu.memref_squeeze %dma_wait3A_23 : memref<1x256xf32, #tpu.memory_space<hbm>> -> memref<256xf32, #tpu.memory_space<hbm>>
        %dma_wait3A_25 = arith.constant 0 : i32
        %dma_wait3A_26 = tpu.memref_slice %arg14[%arg1, %dma_wait3A_25] : memref<8x256xf32, #tpu.memory_space<hbm>> -> memref<1x256xf32, #tpu.memory_space<hbm>>
        %dma_wait3A_27 = tpu.memref_squeeze %dma_wait3A_26 : memref<1x256xf32, #tpu.memory_space<hbm>> -> memref<256xf32, #tpu.memory_space<hbm>>
        tpu.wait_dma2 semaphore(%run_scoped3A : memref<!tpu.dma_semaphore, #tpu.memory_space<semaphore_mem>>) src(%dma_wait3A_27 : memref<256xf32, #tpu.memory_space<hbm>>) dst(%arg31 : memref<256xf32, #tpu.memory_space<vmem>>)
        tpu.yield
      }) : () -> ()
      "tpu.region"() ({
        %run_scoped3A = tpu.sem_alloc : memref<!tpu.dma_semaphore, #tpu.memory_space<semaphore_mem>>
        %dma_start3A = arith.constant 0 : i32
        %dma_start3A_18 = tpu.memref_slice %arg15[%arg1, %dma_start3A] : memref<8x256xf32, #tpu.memory_space<hbm>> -> memref<1x256xf32, #tpu.memory_space<hbm>>
        %dma_start3A_19 = tpu.memref_squeeze %dma_start3A_18 : memref<1x256xf32, #tpu.memory_space<hbm>> -> memref<256xf32, #tpu.memory_space<hbm>>
        %dma_start3A_20 = arith.constant 0 : i32
        %dma_start3A_21 = tpu.memref_slice %arg15[%arg1, %dma_start3A_20] : memref<8x256xf32, #tpu.memory_space<hbm>> -> memref<1x256xf32, #tpu.memory_space<hbm>>
        %dma_start3A_22 = tpu.memref_squeeze %dma_start3A_21 : memref<1x256xf32, #tpu.memory_space<hbm>> -> memref<256xf32, #tpu.memory_space<hbm>>
        tpu.enqueue_dma source(%dma_start3A_22 : memref<256xf32, #tpu.memory_space<hbm>>) target(%arg32 : memref<256xf32, #tpu.memory_space<vmem>>) target_semaphore(%run_scoped3A : memref<!tpu.dma_semaphore, #tpu.memory_space<semaphore_mem>>)
        %dma_wait3A = arith.constant 0 : i32
        %dma_wait3A_23 = tpu.memref_slice %arg15[%arg1, %dma_wait3A] : memref<8x256xf32, #tpu.memory_space<hbm>> -> memref<1x256xf32, #tpu.memory_space<hbm>>
        %dma_wait3A_24 = tpu.memref_squeeze %dma_wait3A_23 : memref<1x256xf32, #tpu.memory_space<hbm>> -> memref<256xf32, #tpu.memory_space<hbm>>
        %dma_wait3A_25 = arith.constant 0 : i32
        %dma_wait3A_26 = tpu.memref_slice %arg15[%arg1, %dma_wait3A_25] : memref<8x256xf32, #tpu.memory_space<hbm>> -> memref<1x256xf32, #tpu.memory_space<hbm>>
        %dma_wait3A_27 = tpu.memref_squeeze %dma_wait3A_26 : memref<1x256xf32, #tpu.memory_space<hbm>> -> memref<256xf32, #tpu.memory_space<hbm>>
        tpu.wait_dma2 semaphore(%run_scoped3A : memref<!tpu.dma_semaphore, #tpu.memory_space<semaphore_mem>>) src(%dma_wait3A_27 : memref<256xf32, #tpu.memory_space<hbm>>) dst(%arg32 : memref<256xf32, #tpu.memory_space<vmem>>)
        tpu.yield
      }) : () -> ()
      %scan3A = arith.constant 0 : i32
      %scan3A_3 = arith.constant 0 : i32
      %scan3A_4 = arith.constant 192 : i32
      %scan3A_5 = arith.addi %scan3A_3, %scan3A_4 : i32
      %scan3A_6 = arith.constant 1 : i32
      scf.for %scan3A_18 = %scan3A_3 to %scan3A_5 step %scan3A_6  : i32 {
        %mul3A = arith.constant 16 : i32
        %mul3A_19 = arith.muli %scan3A_18, %mul3A : i32
        %get3A = arith.index_cast %mul3A_19 : i32 to index
        %get3A_20 = tpu.vector_load %arg19[%get3A] {strides = array<i32>} : memref<3072xf32, #tpu.memory_space<vmem>>, vector<16xf32>,
        %broadcast_in_dim3A_21 = arith.constant 0 : i32
        %broadcast_in_dim3A_22 = vector.broadcast %broadcast_in_dim3A_21 : i32 to vector<16xi32>
        %add3A = arith.constant 128 : i32
        %add3A_23 = vector.broadcast %add3A : i32 to vector<16xi32>
        %add3A_24 = arith.addi %broadcast_in_dim3A_22, %add3A_23 : vector<16xi32>
        %sub3A = arith.constant 1 : i32
        %sub3A_25 = vector.broadcast %sub3A : i32 to vector<16xi32>
        %sub3A_26 = arith.subi %add3A_24, %sub3A_25 : vector<16xi32>
        %gather3A = tpu.vector_load_idx %arg23[%sub3A_26] : memref<256xf32, #tpu.memory_space<vmem>>[vector<16xi32>], vector<16xf32>,
        %lt3A_27 = arith.cmpf olt, %gather3A, %get3A_20 : vector<16xf32>
        %select_n3A = arith.select %lt3A_27, %add3A_24, %broadcast_in_dim3A_22 : vector<16xi1>, vector<16xi32>
        %add3A_28 = arith.constant 64 : i32
        %add3A_29 = vector.broadcast %add3A_28 : i32 to vector<16xi32>
        %add3A_30 = arith.addi %select_n3A, %add3A_29 : vector<16xi32>
        %sub3A_31 = arith.constant 1 : i32
        %sub3A_32 = vector.broadcast %sub3A_31 : i32 to vector<16xi32>
        %sub3A_33 = arith.subi %add3A_30, %sub3A_32 : vector<16xi32>
        %gather3A_34 = tpu.vector_load_idx %arg23[%sub3A_33] : memref<256xf32, #tpu.memory_space<vmem>>[vector<16xi32>], vector<16xf32>,
        %lt3A_35 = arith.cmpf olt, %gather3A_34, %get3A_20 : vector<16xf32>
        %select_n3A_36 = arith.select %lt3A_35, %add3A_30, %select_n3A : vector<16xi1>, vector<16xi32>
        %add3A_37 = arith.constant 32 : i32
        %add3A_38 = vector.broadcast %add3A_37 : i32 to vector<16xi32>
        %add3A_39 = arith.addi %select_n3A_36, %add3A_38 : vector<16xi32>
        %sub3A_40 = arith.constant 1 : i32
        %sub3A_41 = vector.broadcast %sub3A_40 : i32 to vector<16xi32>
        %sub3A_42 = arith.subi %add3A_39, %sub3A_41 : vector<16xi32>
        %gather3A_43 = tpu.vector_load_idx %arg23[%sub3A_42] : memref<256xf32, #tpu.memory_space<vmem>>[vector<16xi32>], vector<16xf32>,
        %lt3A_44 = arith.cmpf olt, %gather3A_43, %get3A_20 : vector<16xf32>
        %select_n3A_45 = arith.select %lt3A_44, %add3A_39, %select_n3A_36 : vector<16xi1>, vector<16xi32>
        %add3A_46 = arith.constant 16 : i32
        %add3A_47 = vector.broadcast %add3A_46 : i32 to vector<16xi32>
        %add3A_48 = arith.addi %select_n3A_45, %add3A_47 : vector<16xi32>
        %sub3A_49 = arith.constant 1 : i32
        %sub3A_50 = vector.broadcast %sub3A_49 : i32 to vector<16xi32>
        %sub3A_51 = arith.subi %add3A_48, %sub3A_50 : vector<16xi32>
        %gather3A_52 = tpu.vector_load_idx %arg23[%sub3A_51] : memref<256xf32, #tpu.memory_space<vmem>>[vector<16xi32>], vector<16xf32>,
        %lt3A_53 = arith.cmpf olt, %gather3A_52, %get3A_20 : vector<16xf32>
        %select_n3A_54 = arith.select %lt3A_53, %add3A_48, %select_n3A_45 : vector<16xi1>, vector<16xi32>
        %add3A_55 = arith.constant 8 : i32
        %add3A_56 = vector.broadcast %add3A_55 : i32 to vector<16xi32>
        %add3A_57 = arith.addi %select_n3A_54, %add3A_56 : vector<16xi32>
        %sub3A_58 = arith.constant 1 : i32
        %sub3A_59 = vector.broadcast %sub3A_58 : i32 to vector<16xi32>
        %sub3A_60 = arith.subi %add3A_57, %sub3A_59 : vector<16xi32>
        %gather3A_61 = tpu.vector_load_idx %arg23[%sub3A_60] : memref<256xf32, #tpu.memory_space<vmem>>[vector<16xi32>], vector<16xf32>,
        %lt3A_62 = arith.cmpf olt, %gather3A_61, %get3A_20 : vector<16xf32>
        %select_n3A_63 = arith.select %lt3A_62, %add3A_57, %select_n3A_54 : vector<16xi1>, vector<16xi32>
        %add3A_64 = arith.constant 4 : i32
        %add3A_65 = vector.broadcast %add3A_64 : i32 to vector<16xi32>
        %add3A_66 = arith.addi %select_n3A_63, %add3A_65 : vector<16xi32>
        %sub3A_67 = arith.constant 1 : i32
        %sub3A_68 = vector.broadcast %sub3A_67 : i32 to vector<16xi32>
        %sub3A_69 = arith.subi %add3A_66, %sub3A_68 : vector<16xi32>
        %gather3A_70 = tpu.vector_load_idx %arg23[%sub3A_69] : memref<256xf32, #tpu.memory_space<vmem>>[vector<16xi32>], vector<16xf32>,
        %lt3A_71 = arith.cmpf olt, %gather3A_70, %get3A_20 : vector<16xf32>
        %select_n3A_72 = arith.select %lt3A_71, %add3A_66, %select_n3A_63 : vector<16xi1>, vector<16xi32>
        %add3A_73 = arith.constant 2 : i32
        %add3A_74 = vector.broadcast %add3A_73 : i32 to vector<16xi32>
        %add3A_75 = arith.addi %select_n3A_72, %add3A_74 : vector<16xi32>
        %sub3A_76 = arith.constant 1 : i32
        %sub3A_77 = vector.broadcast %sub3A_76 : i32 to vector<16xi32>
        %sub3A_78 = arith.subi %add3A_75, %sub3A_77 : vector<16xi32>
        %gather3A_79 = tpu.vector_load_idx %arg23[%sub3A_78] : memref<256xf32, #tpu.memory_space<vmem>>[vector<16xi32>], vector<16xf32>,
        %lt3A_80 = arith.cmpf olt, %gather3A_79, %get3A_20 : vector<16xf32>
        %select_n3A_81 = arith.select %lt3A_80, %add3A_75, %select_n3A_72 : vector<16xi1>, vector<16xi32>
        %add3A_82 = arith.constant 1 : i32
        %add3A_83 = vector.broadcast %add3A_82 : i32 to vector<16xi32>
        %add3A_84 = arith.addi %select_n3A_81, %add3A_83 : vector<16xi32>
        %sub3A_85 = arith.constant 1 : i32
        %sub3A_86 = vector.broadcast %sub3A_85 : i32 to vector<16xi32>
        %sub3A_87 = arith.subi %add3A_84, %sub3A_86 : vector<16xi32>
        %gather3A_88 = tpu.vector_load_idx %arg23[%sub3A_87] : memref<256xf32, #tpu.memory_space<vmem>>[vector<16xi32>], vector<16xf32>,
        %lt3A_89 = arith.cmpf olt, %gather3A_88, %get3A_20 : vector<16xf32>
        %select_n3A_90 = arith.select %lt3A_89, %add3A_84, %select_n3A_81 : vector<16xi1>, vector<16xi32>
        %min3A = arith.constant 255 : i32
        %min3A_91 = vector.broadcast %min3A : i32 to vector<16xi32>
        %min3A_92 = arith.minsi %select_n3A_90, %min3A_91 : vector<16xi32>
        %gather3A_93 = tpu.vector_load_idx %arg24[%min3A_92] : memref<256xf32, #tpu.memory_space<vmem>>[vector<16xi32>], vector<16xf32>,
        %gather3A_94 = tpu.vector_load_idx %arg25[%min3A_92] : memref<256xf32, #tpu.memory_space<vmem>>[vector<16xi32>], vector<16xf32>,
        %gather3A_95 = tpu.vector_load_idx %arg26[%min3A_92] : memref<256xf32, #tpu.memory_space<vmem>>[vector<16xi32>], vector<16xf32>,
        %gather3A_96 = tpu.vector_load_idx %arg27[%min3A_92] : memref<256xf32, #tpu.memory_space<vmem>>[vector<16xi32>], vector<16xf32>,
        %bitcast3A = vector.bitcast %gather3A_96 : vector<16xf32> to vector<16xi32>
        %add3A_97 = arith.constant 32767 : i32
        %add3A_98 = vector.broadcast %add3A_97 : i32 to vector<16xi32>
        %add3A_99 = arith.addi %bitcast3A, %add3A_98 : vector<16xi32>
        %shift_right_arithmetic3A = arith.constant 16 : i32
        %shift_right_arithmetic3A_100 = vector.broadcast %shift_right_arithmetic3A : i32 to vector<16xi32>
        %shift_right_arithmetic3A_101 = arith.shrsi %bitcast3A, %shift_right_arithmetic3A_100 : vector<16xi32>
        %and3A_102 = arith.constant 1 : i32
        %and3A_103 = vector.broadcast %and3A_102 : i32 to vector<16xi32>
        %and3A_104 = arith.andi %shift_right_arithmetic3A_101, %and3A_103 : vector<16xi32>
        %add3A_105 = arith.addi %add3A_99, %and3A_104 : vector<16xi32>
        %and3A_106 = arith.constant -65536 : i32
        %and3A_107 = vector.broadcast %and3A_106 : i32 to vector<16xi32>
        %and3A_108 = arith.andi %add3A_105, %and3A_107 : vector<16xi32>
        %bitcast3A_109 = vector.bitcast %and3A_108 : vector<16xi32> to vector<16xf32>
        %gather3A_110 = tpu.vector_load_idx %arg28[%min3A_92] : memref<256xf32, #tpu.memory_space<vmem>>[vector<16xi32>], vector<16xf32>,
        %bitcast3A_111 = vector.bitcast %gather3A_110 : vector<16xf32> to vector<16xi32>
        %add3A_112 = arith.constant 32767 : i32
        %add3A_113 = vector.broadcast %add3A_112 : i32 to vector<16xi32>
        %add3A_114 = arith.addi %bitcast3A_111, %add3A_113 : vector<16xi32>
        %shift_right_arithmetic3A_115 = arith.constant 16 : i32
        %shift_right_arithmetic3A_116 = vector.broadcast %shift_right_arithmetic3A_115 : i32 to vector<16xi32>
        %shift_right_arithmetic3A_117 = arith.shrsi %bitcast3A_111, %shift_right_arithmetic3A_116 : vector<16xi32>
        %and3A_118 = arith.constant 1 : i32
        %and3A_119 = vector.broadcast %and3A_118 : i32 to vector<16xi32>
        %and3A_120 = arith.andi %shift_right_arithmetic3A_117, %and3A_119 : vector<16xi32>
        %add3A_121 = arith.addi %add3A_114, %and3A_120 : vector<16xi32>
        %and3A_122 = arith.constant -65536 : i32
        %and3A_123 = vector.broadcast %and3A_122 : i32 to vector<16xi32>
        %and3A_124 = arith.andi %add3A_121, %and3A_123 : vector<16xi32>
        %bitcast3A_125 = vector.bitcast %and3A_124 : vector<16xi32> to vector<16xf32>
        %gather3A_126 = tpu.vector_load_idx %arg29[%min3A_92] : memref<256xf32, #tpu.memory_space<vmem>>[vector<16xi32>], vector<16xf32>,
        %bitcast3A_127 = vector.bitcast %gather3A_126 : vector<16xf32> to vector<16xi32>
        %add3A_128 = arith.constant 32767 : i32
        %add3A_129 = vector.broadcast %add3A_128 : i32 to vector<16xi32>
        %add3A_130 = arith.addi %bitcast3A_127, %add3A_129 : vector<16xi32>
        %shift_right_arithmetic3A_131 = arith.constant 16 : i32
        %shift_right_arithmetic3A_132 = vector.broadcast %shift_right_arithmetic3A_131 : i32 to vector<16xi32>
        %shift_right_arithmetic3A_133 = arith.shrsi %bitcast3A_127, %shift_right_arithmetic3A_132 : vector<16xi32>
        %and3A_134 = arith.constant 1 : i32
        %and3A_135 = vector.broadcast %and3A_134 : i32 to vector<16xi32>
        %and3A_136 = arith.andi %shift_right_arithmetic3A_133, %and3A_135 : vector<16xi32>
        %add3A_137 = arith.addi %add3A_130, %and3A_136 : vector<16xi32>
        %and3A_138 = arith.constant -65536 : i32
        %and3A_139 = vector.broadcast %and3A_138 : i32 to vector<16xi32>
        %and3A_140 = arith.andi %add3A_137, %and3A_139 : vector<16xi32>
        %bitcast3A_141 = vector.bitcast %and3A_140 : vector<16xi32> to vector<16xf32>
        %gather3A_142 = tpu.vector_load_idx %arg30[%min3A_92] : memref<256xf32, #tpu.memory_space<vmem>>[vector<16xi32>], vector<16xf32>,
        %bitcast3A_143 = vector.bitcast %gather3A_142 : vector<16xf32> to vector<16xi32>
        %add3A_144 = arith.constant 32767 : i32
        %add3A_145 = vector.broadcast %add3A_144 : i32 to vector<16xi32>
        %add3A_146 = arith.addi %bitcast3A_143, %add3A_145 : vector<16xi32>
        %shift_right_arithmetic3A_147 = arith.constant 16 : i32
        %shift_right_arithmetic3A_148 = vector.broadcast %shift_right_arithmetic3A_147 : i32 to vector<16xi32>
        %shift_right_arithmetic3A_149 = arith.shrsi %bitcast3A_143, %shift_right_arithmetic3A_148 : vector<16xi32>
        %and3A_150 = arith.constant 1 : i32
        %and3A_151 = vector.broadcast %and3A_150 : i32 to vector<16xi32>
        %and3A_152 = arith.andi %shift_right_arithmetic3A_149, %and3A_151 : vector<16xi32>
        %add3A_153 = arith.addi %add3A_146, %and3A_152 : vector<16xi32>
        %and3A_154 = arith.constant -65536 : i32
        %and3A_155 = vector.broadcast %and3A_154 : i32 to vector<16xi32>
        %and3A_156 = arith.andi %add3A_153, %and3A_155 : vector<16xi32>
        %bitcast3A_157 = vector.bitcast %and3A_156 : vector<16xi32> to vector<16xf32>
        %gather3A_158 = tpu.vector_load_idx %arg31[%min3A_92] : memref<256xf32, #tpu.memory_space<vmem>>[vector<16xi32>], vector<16xf32>,
        %bitcast3A_159 = vector.bitcast %gather3A_158 : vector<16xf32> to vector<16xi32>
        %add3A_160 = arith.constant 32767 : i32
        %add3A_161 = vector.broadcast %add3A_160 : i32 to vector<16xi32>
        %add3A_162 = arith.addi %bitcast3A_159, %add3A_161 : vector<16xi32>
        %shift_right_arithmetic3A_163 = arith.constant 16 : i32
        %shift_right_arithmetic3A_164 = vector.broadcast %shift_right_arithmetic3A_163 : i32 to vector<16xi32>
        %shift_right_arithmetic3A_165 = arith.shrsi %bitcast3A_159, %shift_right_arithmetic3A_164 : vector<16xi32>
        %and3A_166 = arith.constant 1 : i32
        %and3A_167 = vector.broadcast %and3A_166 : i32 to vector<16xi32>
        %and3A_168 = arith.andi %shift_right_arithmetic3A_165, %and3A_167 : vector<16xi32>
        %add3A_169 = arith.addi %add3A_162, %and3A_168 : vector<16xi32>
        %and3A_170 = arith.constant -65536 : i32
        %and3A_171 = vector.broadcast %and3A_170 : i32 to vector<16xi32>
        %and3A_172 = arith.andi %add3A_169, %and3A_171 : vector<16xi32>
        %bitcast3A_173 = vector.bitcast %and3A_172 : vector<16xi32> to vector<16xf32>
        %gather3A_174 = tpu.vector_load_idx %arg32[%min3A_92] : memref<256xf32, #tpu.memory_space<vmem>>[vector<16xi32>], vector<16xf32>,
        %bitcast3A_175 = vector.bitcast %gather3A_174 : vector<16xf32> to vector<16xi32>
        %add3A_176 = arith.constant 32767 : i32
        %add3A_177 = vector.broadcast %add3A_176 : i32 to vector<16xi32>
        %add3A_178 = arith.addi %bitcast3A_175, %add3A_177 : vector<16xi32>
        %shift_right_arithmetic3A_179 = arith.constant 16 : i32
        %shift_right_arithmetic3A_180 = vector.broadcast %shift_right_arithmetic3A_179 : i32 to vector<16xi32>
        %shift_right_arithmetic3A_181 = arith.shrsi %bitcast3A_175, %shift_right_arithmetic3A_180 : vector<16xi32>
        %and3A_182 = arith.constant 1 : i32
        %and3A_183 = vector.broadcast %and3A_182 : i32 to vector<16xi32>
        %and3A_184 = arith.andi %shift_right_arithmetic3A_181, %and3A_183 : vector<16xi32>
        %add3A_185 = arith.addi %add3A_178, %and3A_184 : vector<16xi32>
        %and3A_186 = arith.constant -65536 : i32
        %and3A_187 = vector.broadcast %and3A_186 : i32 to vector<16xi32>
        %and3A_188 = arith.andi %add3A_185, %and3A_187 : vector<16xi32>
        %bitcast3A_189 = vector.bitcast %and3A_188 : vector<16xi32> to vector<16xf32>
        %get3A_190 = arith.index_cast %mul3A_19 : i32 to index
        %get3A_191 = tpu.vector_load %arg20[%get3A_190] {strides = array<i32>} : memref<3072xf32, #tpu.memory_space<vmem>>, vector<16xf32>,
        %bitcast3A_192 = vector.bitcast %get3A_191 : vector<16xf32> to vector<16xi32>
        %add3A_193 = arith.constant 32767 : i32
        %add3A_194 = vector.broadcast %add3A_193 : i32 to vector<16xi32>
        %add3A_195 = arith.addi %bitcast3A_192, %add3A_194 : vector<16xi32>
        %shift_right_arithmetic3A_196 = arith.constant 16 : i32
        %shift_right_arithmetic3A_197 = vector.broadcast %shift_right_arithmetic3A_196 : i32 to vector<16xi32>
        %shift_right_arithmetic3A_198 = arith.shrsi %bitcast3A_192, %shift_right_arithmetic3A_197 : vector<16xi32>
        %and3A_199 = arith.constant 1 : i32
        %and3A_200 = vector.broadcast %and3A_199 : i32 to vector<16xi32>
        %and3A_201 = arith.andi %shift_right_arithmetic3A_198, %and3A_200 : vector<16xi32>
        %add3A_202 = arith.addi %add3A_195, %and3A_201 : vector<16xi32>
        %and3A_203 = arith.constant -65536 : i32
        %and3A_204 = vector.broadcast %and3A_203 : i32 to vector<16xi32>
        %and3A_205 = arith.andi %add3A_202, %and3A_204 : vector<16xi32>
        %bitcast3A_206 = vector.bitcast %and3A_205 : vector<16xi32> to vector<16xf32>
        %get3A_207 = arith.index_cast %mul3A_19 : i32 to index
        %get3A_208 = tpu.vector_load %arg21[%get3A_207] {strides = array<i32>} : memref<3072xf32, #tpu.memory_space<vmem>>, vector<16xf32>,
        %bitcast3A_209 = vector.bitcast %get3A_208 : vector<16xf32> to vector<16xi32>
        %add3A_210 = arith.constant 32767 : i32
        %add3A_211 = vector.broadcast %add3A_210 : i32 to vector<16xi32>
        %add3A_212 = arith.addi %bitcast3A_209, %add3A_211 : vector<16xi32>
        %shift_right_arithmetic3A_213 = arith.constant 16 : i32
        %shift_right_arithmetic3A_214 = vector.broadcast %shift_right_arithmetic3A_213 : i32 to vector<16xi32>
        %shift_right_arithmetic3A_215 = arith.shrsi %bitcast3A_209, %shift_right_arithmetic3A_214 : vector<16xi32>
        %and3A_216 = arith.constant 1 : i32
        %and3A_217 = vector.broadcast %and3A_216 : i32 to vector<16xi32>
        %and3A_218 = arith.andi %shift_right_arithmetic3A_215, %and3A_217 : vector<16xi32>
        %add3A_219 = arith.addi %add3A_212, %and3A_218 : vector<16xi32>
        %and3A_220 = arith.constant -65536 : i32
        %and3A_221 = vector.broadcast %and3A_220 : i32 to vector<16xi32>
        %and3A_222 = arith.andi %add3A_219, %and3A_221 : vector<16xi32>
        %bitcast3A_223 = vector.bitcast %and3A_222 : vector<16xi32> to vector<16xf32>
        %get3A_224 = arith.index_cast %mul3A_19 : i32 to index
        %get3A_225 = tpu.vector_load %arg22[%get3A_224] {strides = array<i32>} : memref<3072xf32, #tpu.memory_space<vmem>>, vector<16xf32>,
        %bitcast3A_226 = vector.bitcast %get3A_225 : vector<16xf32> to vector<16xi32>
        %add3A_227 = arith.constant 32767 : i32
        %add3A_228 = vector.broadcast %add3A_227 : i32 to vector<16xi32>
        %add3A_229 = arith.addi %bitcast3A_226, %add3A_228 : vector<16xi32>
        %shift_right_arithmetic3A_230 = arith.constant 16 : i32
        %shift_right_arithmetic3A_231 = vector.broadcast %shift_right_arithmetic3A_230 : i32 to vector<16xi32>
        %shift_right_arithmetic3A_232 = arith.shrsi %bitcast3A_226, %shift_right_arithmetic3A_231 : vector<16xi32>
        %and3A_233 = arith.constant 1 : i32
        %and3A_234 = vector.broadcast %and3A_233 : i32 to vector<16xi32>
        %and3A_235 = arith.andi %shift_right_arithmetic3A_232, %and3A_234 : vector<16xi32>
        %add3A_236 = arith.addi %add3A_229, %and3A_235 : vector<16xi32>
        %and3A_237 = arith.constant -65536 : i32
        %and3A_238 = vector.broadcast %and3A_237 : i32 to vector<16xi32>
        %and3A_239 = arith.andi %add3A_236, %and3A_238 : vector<16xi32>
        %bitcast3A_240 = vector.bitcast %and3A_239 : vector<16xi32> to vector<16xf32>
        %mul3A_241 = arith.mulf %bitcast3A_109, %bitcast3A_206 : vector<16xf32>
        %add3A_242 = arith.addf %gather3A_93, %mul3A_241 : vector<16xf32>
        %swap3A = arith.index_cast %mul3A_19 : i32 to index
        %swap3A_243 = tpu.vector_load %arg33[%swap3A] {strides = array<i32>} : memref<3072xf32, #tpu.memory_space<vmem>>, vector<16xf32>,
        tpu.vector_store %arg33[%swap3A], %add3A_242 {strides = array<i32>} : memref<3072xf32, #tpu.memory_space<vmem>>, vector<16xf32>,
        %mul3A_244 = arith.mulf %bitcast3A_125, %bitcast3A_206 : vector<16xf32>
        %mul3A_245 = arith.mulf %bitcast3A_141, %bitcast3A_223 : vector<16xf32>
        %add3A_246 = arith.addf %mul3A_244, %mul3A_245 : vector<16xf32>
        %add3A_247 = arith.addf %gather3A_94, %add3A_246 : vector<16xf32>
        %swap3A_248 = arith.index_cast %mul3A_19 : i32 to index
        %swap3A_249 = tpu.vector_load %arg34[%swap3A_248] {strides = array<i32>} : memref<3072xf32, #tpu.memory_space<vmem>>, vector<16xf32>,
        tpu.vector_store %arg34[%swap3A_248], %add3A_247 {strides = array<i32>} : memref<3072xf32, #tpu.memory_space<vmem>>, vector<16xf32>,
        %mul3A_250 = arith.mulf %bitcast3A_157, %bitcast3A_206 : vector<16xf32>
        %mul3A_251 = arith.mulf %bitcast3A_173, %bitcast3A_223 : vector<16xf32>
        %add3A_252 = arith.addf %mul3A_250, %mul3A_251 : vector<16xf32>
        %mul3A_253 = arith.mulf %bitcast3A_189, %bitcast3A_240 : vector<16xf32>
        %add3A_254 = arith.addf %add3A_252, %mul3A_253 : vector<16xf32>
        %add3A_255 = arith.addf %gather3A_95, %add3A_254 : vector<16xf32>
        %swap3A_256 = arith.index_cast %mul3A_19 : i32 to index
        %swap3A_257 = tpu.vector_load %arg35[%swap3A_256] {strides = array<i32>} : memref<3072xf32, #tpu.memory_space<vmem>>, vector<16xf32>,
        tpu.vector_store %arg35[%swap3A_256], %add3A_255 {strides = array<i32>} : memref<3072xf32, #tpu.memory_space<vmem>>, vector<16xf32>,
        %broadcast_in_dim3A_258 = arith.constant 0x7F800000 : f32
        %broadcast_in_dim3A_259 = vector.broadcast %broadcast_in_dim3A_258 : f32 to vector<16xf32>
        %swap3A_260 = arith.index_cast %mul3A_19 : i32 to index
        %swap3A_261 = tpu.vector_load %arg36[%swap3A_260] {strides = array<i32>} : memref<3072xf32, #tpu.memory_space<vmem>>, vector<16xf32>,
        tpu.vector_store %arg36[%swap3A_260], %broadcast_in_dim3A_259 {strides = array<i32>} : memref<3072xf32, #tpu.memory_space<vmem>>, vector<16xf32>,
      }
      %scan3A_7 = arith.constant 192 : i32
      %iota3A = tpu.iota {dimensions = array<i32: 0>} : vector<16xi32>
      %broadcast_in_dim3A = arith.constant 0xFF800000 : f32
      %broadcast_in_dim3A_8 = vector.broadcast %broadcast_in_dim3A : f32 to vector<16xf32>
      %broadcast_in_dim3A_9 = arith.constant 0.000000e+00 : f32
      %broadcast_in_dim3A_10 = vector.broadcast %broadcast_in_dim3A_9 : f32 to vector<16xf32>
      %scan3A_11 = arith.constant 0 : i32
      %scan3A_12 = arith.constant 0 : i32
      %scan3A_13 = arith.constant 512 : i32
      %scan3A_14 = arith.addi %scan3A_12, %scan3A_13 : i32
      %scan3A_15 = arith.constant 1 : i32
      %scan3A_16:4 = scf.for %scan3A_18 = %scan3A_12 to %scan3A_14 step %scan3A_15 iter_args(%scan3A_19 = %scan3A_11, %scan3A_20 = %broadcast_in_dim3A_10, %scan3A_21 = %broadcast_in_dim3A_10, %scan3A_22 = %broadcast_in_dim3A_10) -> (i32, vector<16xf32>, vector<16xf32>, vector<16xf32>)  : i32 {
        %jit3A = arith.constant 16 : i32
        %div3A = arith.divsi %scan3A_19, %jit3A : i32
        %sign3A = arith.constant 0 : i32
        %sign3A_23 = arith.cmpi sgt, %scan3A_19, %sign3A : i32
        %sign3A_24 = arith.extui %sign3A_23 : i1 to i32
        %sign3A_25 = arith.constant 0 : i32
        %sign3A_26 = arith.cmpi slt, %scan3A_19, %sign3A_25 : i32
        %sign3A_27 = arith.extui %sign3A_26 : i1 to i32
        %sign3A_28 = arith.subi %sign3A_24, %sign3A_27 : i32
        %sign3A_29 = arith.constant 0 : i32
        %sign3A_30 = arith.cmpi sgt, %jit3A, %sign3A_29 : i32
        %sign3A_31 = arith.extui %sign3A_30 : i1 to i32
        %sign3A_32 = arith.constant 0 : i32
        %sign3A_33 = arith.cmpi slt, %jit3A, %sign3A_32 : i32
        %sign3A_34 = arith.extui %sign3A_33 : i1 to i32
        %sign3A_35 = arith.subi %sign3A_31, %sign3A_34 : i32
        %ne3A = arith.cmpi ne, %sign3A_28, %sign3A_35 : i32
        %rem3A = arith.remsi %scan3A_19, %jit3A : i32
        %ne3A_36 = arith.constant 0 : i32
        %ne3A_37 = arith.cmpi ne, %rem3A, %ne3A_36 : i32
        %and3A_38 = arith.andi %ne3A, %ne3A_37 : i1
        %sub3A = arith.constant 1 : i32
        %sub3A_39 = arith.subi %div3A, %sub3A : i32
        %select_n3A = arith.select %and3A_38, %sub3A_39, %div3A : i32
        %jit3A_40 = arith.constant 16 : i32
        %eq3A_41 = arith.constant 0 : i32
        %eq3A_42 = arith.cmpi eq, %jit3A_40, %eq3A_41 : i32
        %jit3A_43 = arith.constant 1 : i32
        %select_n3A_44 = arith.select %eq3A_42, %jit3A_43, %jit3A_40 : i32
        %rem3A_45 = arith.remsi %scan3A_19, %select_n3A_44 : i32
        %ne3A_46 = arith.constant 0 : i32
        %ne3A_47 = arith.cmpi ne, %rem3A_45, %ne3A_46 : i32
        %lt3A_48 = arith.constant 0 : i32
        %lt3A_49 = arith.cmpi slt, %rem3A_45, %lt3A_48 : i32
        %lt3A_50 = arith.constant 0 : i32
        %lt3A_51 = arith.cmpi slt, %select_n3A_44, %lt3A_50 : i32
        %ne3A_52 = arith.xori %lt3A_49, %lt3A_51 : i1
        %and3A_53 = arith.andi %ne3A_52, %ne3A_47 : i1
        %add3A = arith.addi %rem3A_45, %select_n3A_44 : i32
        %select_n3A_54 = arith.select %and3A_53, %add3A, %rem3A_45 : i32
        %mul3A = arith.constant 16 : i32
        %mul3A_55 = arith.muli %select_n3A, %mul3A : i32
        %get3A = arith.index_cast %mul3A_55 : i32 to index
        %get3A_56 = tpu.vector_load %arg33[%get3A] {strides = array<i32>} : memref<3072xf32, #tpu.memory_space<vmem>>, vector<16xf32>,
        %eq3A_57 = vector.broadcast %select_n3A_54 : i32 to vector<16xi32>
        %eq3A_58 = arith.cmpi eq, %iota3A, %eq3A_57 : vector<16xi32>
        %select_n3A_59 = arith.select %eq3A_58, %get3A_56, %broadcast_in_dim3A_8 : vector<16xi1>, vector<16xf32>
        %reduce_max3A = arith.constant true
        %reduce_max3A_60 = vector.broadcast %reduce_max3A : i1 to vector<16xi1>
        %reduce_max3A_61 = tpu.scan <max>, %select_n3A_59 masked %reduce_max3A_60 : vector<16xf32>, vector<16xi1> -> vector<16xf32>
        %reduce_max3A_62 = vector.extract %reduce_max3A_61[15] : f32 from vector<16xf32>
        %mul3A_63 = arith.constant 16 : i32
        %mul3A_64 = arith.muli %select_n3A, %mul3A_63 : i32
        %get3A_65 = arith.index_cast %mul3A_64 : i32 to index
        %get3A_66 = tpu.vector_load %arg34[%get3A_65] {strides = array<i32>} : memref<3072xf32, #tpu.memory_space<vmem>>, vector<16xf32>,
        %eq3A_67 = vector.broadcast %select_n3A_54 : i32 to vector<16xi32>
        %eq3A_68 = arith.cmpi eq, %iota3A, %eq3A_67 : vector<16xi32>
        %select_n3A_69 = arith.select %eq3A_68, %get3A_66, %broadcast_in_dim3A_8 : vector<16xi1>, vector<16xf32>
        %reduce_max3A_70 = arith.constant true
        %reduce_max3A_71 = vector.broadcast %reduce_max3A_70 : i1 to vector<16xi1>
        %reduce_max3A_72 = tpu.scan <max>, %select_n3A_69 masked %reduce_max3A_71 : vector<16xf32>, vector<16xi1> -> vector<16xf32>
        %reduce_max3A_73 = vector.extract %reduce_max3A_72[15] : f32 from vector<16xf32>
        %mul3A_74 = arith.constant 16 : i32
        %mul3A_75 = arith.muli %select_n3A, %mul3A_74 : i32
        %get3A_76 = arith.index_cast %mul3A_75 : i32 to index
        %get3A_77 = tpu.vector_load %arg35[%get3A_76] {strides = array<i32>} : memref<3072xf32, #tpu.memory_space<vmem>>, vector<16xf32>,
        %eq3A_78 = vector.broadcast %select_n3A_54 : i32 to vector<16xi32>
        %eq3A_79 = arith.cmpi eq, %iota3A, %eq3A_78 : vector<16xi32>
        %select_n3A_80 = arith.select %eq3A_79, %get3A_77, %broadcast_in_dim3A_8 : vector<16xi1>, vector<16xf32>
        %reduce_max3A_81 = arith.constant true
        %reduce_max3A_82 = vector.broadcast %reduce_max3A_81 : i1 to vector<16xi1>
        %reduce_max3A_83 = tpu.scan <max>, %select_n3A_80 masked %reduce_max3A_82 : vector<16xf32>, vector<16xi1> -> vector<16xf32>
        %reduce_max3A_84 = vector.extract %reduce_max3A_83[15] : f32 from vector<16xf32>
        %jit3A_85 = arith.constant 16 : i32
        %eq3A_86 = arith.constant 0 : i32
        %eq3A_87 = arith.cmpi eq, %jit3A_85, %eq3A_86 : i32
        %jit3A_88 = arith.constant 1 : i32
        %select_n3A_89 = arith.select %eq3A_87, %jit3A_88, %jit3A_85 : i32
        %rem3A_90 = arith.remsi %scan3A_18, %select_n3A_89 : i32
        %ne3A_91 = arith.constant 0 : i32
        %ne3A_92 = arith.cmpi ne, %rem3A_90, %ne3A_91 : i32
        %lt3A_93 = arith.constant 0 : i32
        %lt3A_94 = arith.cmpi slt, %rem3A_90, %lt3A_93 : i32
        %lt3A_95 = arith.constant 0 : i32
        %lt3A_96 = arith.cmpi slt, %select_n3A_89, %lt3A_95 : i32
        %ne3A_97 = arith.xori %lt3A_94, %lt3A_96 : i1
        %and3A_98 = arith.andi %ne3A_97, %ne3A_92 : i1
        %add3A_99 = arith.addi %rem3A_90, %select_n3A_89 : i32
        %select_n3A_100 = arith.select %and3A_98, %add3A_99, %rem3A_90 : i32
        %eq3A_101 = vector.broadcast %select_n3A_100 : i32 to vector<16xi32>
        %eq3A_102 = arith.cmpi eq, %iota3A, %eq3A_101 : vector<16xi32>
        %broadcast_in_dim3A_103 = vector.broadcast %reduce_max3A_62 : f32 to vector<16xf32>
        %select_n3A_104 = arith.select %eq3A_102, %broadcast_in_dim3A_103, %scan3A_20 : vector<16xi1>, vector<16xf32>
        %eq3A_105 = vector.broadcast %select_n3A_100 : i32 to vector<16xi32>
        %eq3A_106 = arith.cmpi eq, %iota3A, %eq3A_105 : vector<16xi32>
        %broadcast_in_dim3A_107 = vector.broadcast %reduce_max3A_73 : f32 to vector<16xf32>
        %select_n3A_108 = arith.select %eq3A_106, %broadcast_in_dim3A_107, %scan3A_21 : vector<16xi1>, vector<16xf32>
        %eq3A_109 = vector.broadcast %select_n3A_100 : i32 to vector<16xi32>
        %eq3A_110 = arith.cmpi eq, %iota3A, %eq3A_109 : vector<16xi32>
        %broadcast_in_dim3A_111 = vector.broadcast %reduce_max3A_84 : f32 to vector<16xf32>
        %select_n3A_112 = arith.select %eq3A_110, %broadcast_in_dim3A_111, %scan3A_22 : vector<16xi1>, vector<16xf32>
        %eq3A_113 = arith.constant 15 : i32
        %eq3A_114 = arith.cmpi eq, %select_n3A_100, %eq3A_113 : i32
        %convert_element_type3A_115 = arith.extui %eq3A_114 : i1 to i32
        %cond3A_116 = arith.constant 0 : i32
        %cond3A_117 = arith.cmpi ne, %convert_element_type3A_115, %cond3A_116 : i32
        scf.if %cond3A_117 {
          %jit3A_143 = arith.constant 16 : i32
          %div3A_144 = arith.divsi %scan3A_18, %jit3A_143 : i32
          %sign3A_145 = arith.constant 0 : i32
          %sign3A_146 = arith.cmpi sgt, %scan3A_18, %sign3A_145 : i32
          %sign3A_147 = arith.extui %sign3A_146 : i1 to i32
          %sign3A_148 = arith.constant 0 : i32
          %sign3A_149 = arith.cmpi slt, %scan3A_18, %sign3A_148 : i32
          %sign3A_150 = arith.extui %sign3A_149 : i1 to i32
          %sign3A_151 = arith.subi %sign3A_147, %sign3A_150 : i32
          %sign3A_152 = arith.constant 0 : i32
          %sign3A_153 = arith.cmpi sgt, %jit3A_143, %sign3A_152 : i32
          %sign3A_154 = arith.extui %sign3A_153 : i1 to i32
          %sign3A_155 = arith.constant 0 : i32
          %sign3A_156 = arith.cmpi slt, %jit3A_143, %sign3A_155 : i32
          %sign3A_157 = arith.extui %sign3A_156 : i1 to i32
          %sign3A_158 = arith.subi %sign3A_154, %sign3A_157 : i32
          %ne3A_159 = arith.cmpi ne, %sign3A_151, %sign3A_158 : i32
          %rem3A_160 = arith.remsi %scan3A_18, %jit3A_143 : i32
          %ne3A_161 = arith.constant 0 : i32
          %ne3A_162 = arith.cmpi ne, %rem3A_160, %ne3A_161 : i32
          %and3A_163 = arith.andi %ne3A_159, %ne3A_162 : i1
          %sub3A_164 = arith.constant 1 : i32
          %sub3A_165 = arith.subi %div3A_144, %sub3A_164 : i32
          %select_n3A_166 = arith.select %and3A_163, %sub3A_165, %div3A_144 : i32
          %mul3A_167 = arith.constant 16 : i32
          %mul3A_168 = arith.muli %select_n3A_166, %mul3A_167 : i32
          %swap3A = arith.index_cast %mul3A_168 : i32 to index
          %swap3A_169 = tpu.vector_load %arg37[%swap3A] {strides = array<i32>} : memref<512xf32, #tpu.memory_space<vmem>>, vector<16xf32>,
          tpu.vector_store %arg37[%swap3A], %select_n3A_104 {strides = array<i32>} : memref<512xf32, #tpu.memory_space<vmem>>, vector<16xf32>,
          %swap3A_170 = arith.index_cast %mul3A_168 : i32 to index
          %swap3A_171 = tpu.vector_load %arg38[%swap3A_170] {strides = array<i32>} : memref<512xf32, #tpu.memory_space<vmem>>, vector<16xf32>,
          tpu.vector_store %arg38[%swap3A_170], %select_n3A_108 {strides = array<i32>} : memref<512xf32, #tpu.memory_space<vmem>>, vector<16xf32>,
          %swap3A_172 = arith.index_cast %mul3A_168 : i32 to index
          %swap3A_173 = tpu.vector_load %arg39[%swap3A_172] {strides = array<i32>} : memref<512xf32, #tpu.memory_space<vmem>>, vector<16xf32>,
          tpu.vector_store %arg39[%swap3A_172], %select_n3A_112 {strides = array<i32>} : memref<512xf32, #tpu.memory_space<vmem>>, vector<16xf32>,
        } else {
        }
        %broadcast_in_dim3A_118 = arith.constant 0 : i32
        %broadcast_in_dim3A_119 = vector.broadcast %broadcast_in_dim3A_118 : i32 to vector<16xi32>
        %parallel_loop3A = arith.constant 0 : i32
        %parallel_loop3A_120 = arith.constant 192 : i32
        %parallel_loop3A_121 = arith.constant 1 : i32
        %parallel_loop3A_122:2 = scf.for %parallel_loop3A_143 = %parallel_loop3A to %parallel_loop3A_120 step %parallel_loop3A_121 iter_args(%parallel_loop3A_144 = %broadcast_in_dim3A_8, %parallel_loop3A_145 = %broadcast_in_dim3A_119) -> (vector<16xf32>, vector<16xi32>)  : i32 {
          %parallel_loop3A_146 = arith.constant 16 : i32
          %parallel_loop3A_147 = arith.muli %parallel_loop3A_143, %parallel_loop3A_146 : i32
          %parallel_loop3A_148 = arith.index_cast %parallel_loop3A_147 : i32 to index
          %parallel_loop3A_149 = tpu.vector_load %arg33[%parallel_loop3A_148] {strides = array<i32>} : memref<3072xf32, #tpu.memory_space<vmem>>, vector<16xf32>,
          %parallel_loop3A_150 = vector.broadcast %reduce_max3A_62 : f32 to vector<16xf32>
          %parallel_loop3A_151 = arith.subf %parallel_loop3A_149, %parallel_loop3A_150 : vector<16xf32>
          %parallel_loop3A_152 = arith.index_cast %parallel_loop3A_147 : i32 to index
          %parallel_loop3A_153 = tpu.vector_load %arg34[%parallel_loop3A_152] {strides = array<i32>} : memref<3072xf32, #tpu.memory_space<vmem>>, vector<16xf32>,
          %parallel_loop3A_154 = vector.broadcast %reduce_max3A_73 : f32 to vector<16xf32>
          %parallel_loop3A_155 = arith.subf %parallel_loop3A_153, %parallel_loop3A_154 : vector<16xf32>
          %parallel_loop3A_156 = arith.index_cast %parallel_loop3A_147 : i32 to index
          %parallel_loop3A_157 = tpu.vector_load %arg35[%parallel_loop3A_156] {strides = array<i32>} : memref<3072xf32, #tpu.memory_space<vmem>>, vector<16xf32>,
          %parallel_loop3A_158 = vector.broadcast %reduce_max3A_84 : f32 to vector<16xf32>
          %parallel_loop3A_159 = arith.subf %parallel_loop3A_157, %parallel_loop3A_158 : vector<16xf32>
          %parallel_loop3A_160 = arith.mulf %parallel_loop3A_151, %parallel_loop3A_151 : vector<16xf32>
          %parallel_loop3A_161 = arith.mulf %parallel_loop3A_155, %parallel_loop3A_155 : vector<16xf32>
          %parallel_loop3A_162 = arith.addf %parallel_loop3A_160, %parallel_loop3A_161 : vector<16xf32>
          %parallel_loop3A_163 = arith.mulf %parallel_loop3A_159, %parallel_loop3A_159 : vector<16xf32>
          %parallel_loop3A_164 = arith.addf %parallel_loop3A_162, %parallel_loop3A_163 : vector<16xf32>
          %parallel_loop3A_165 = arith.index_cast %parallel_loop3A_147 : i32 to index
          %parallel_loop3A_166 = tpu.vector_load %arg36[%parallel_loop3A_165] {strides = array<i32>} : memref<3072xf32, #tpu.memory_space<vmem>>, vector<16xf32>,
          %parallel_loop3A_167 = arith.minimumf %parallel_loop3A_166, %parallel_loop3A_164 : vector<16xf32>
          %parallel_loop3A_168 = arith.index_cast %parallel_loop3A_147 : i32 to index
          %parallel_loop3A_169 = tpu.vector_load %arg36[%parallel_loop3A_168] {strides = array<i32>} : memref<3072xf32, #tpu.memory_space<vmem>>, vector<16xf32>,
          tpu.vector_store %arg36[%parallel_loop3A_168], %parallel_loop3A_167 {strides = array<i32>} : memref<3072xf32, #tpu.memory_space<vmem>>, vector<16xf32>,
          %parallel_loop3A_170 = arith.cmpf ogt, %parallel_loop3A_167, %parallel_loop3A_144 : vector<16xf32>
          %parallel_loop3A_171 = arith.select %parallel_loop3A_170, %parallel_loop3A_167, %parallel_loop3A_144 : vector<16xi1>, vector<16xf32>
          %parallel_loop3A_172 = vector.broadcast %parallel_loop3A_143 : i32 to vector<16xi32>
          %parallel_loop3A_173 = arith.select %parallel_loop3A_170, %parallel_loop3A_172, %parallel_loop3A_145 : vector<16xi1>, vector<16xi32>
          scf.yield %parallel_loop3A_171, %parallel_loop3A_173 : vector<16xf32>, vector<16xi32>
        } {sc.loop_unroll_factor = 4 : i64, sc.parallel_access}
        %reduce_max3A_123 = arith.constant true
        %reduce_max3A_124 = vector.broadcast %reduce_max3A_123 : i1 to vector<16xi1>
        %reduce_max3A_125 = tpu.scan <max>, %parallel_loop3A_122#0 masked %reduce_max3A_124 : vector<16xf32>, vector<16xi1> -> vector<16xf32>
        %reduce_max3A_126 = vector.extract %reduce_max3A_125[15] : f32 from vector<16xf32>
        %eq3A_127 = vector.broadcast %reduce_max3A_126 : f32 to vector<16xf32>
        %eq3A_128 = arith.cmpf oeq, %parallel_loop3A_122#0, %eq3A_127 : vector<16xf32>
        %mul3A_129 = arith.constant 16 : i32
        %mul3A_130 = vector.broadcast %mul3A_129 : i32 to vector<16xi32>
        %mul3A_131 = arith.muli %parallel_loop3A_122#1, %mul3A_130 : vector<16xi32>
        %add3A_132 = arith.addi %mul3A_131, %iota3A : vector<16xi32>
        %jit3A_133 = arith.constant 3072 : i32
        %broadcast_in_dim3A_134 = vector.broadcast %jit3A_133 : i32 to vector<16xi32>
        %select_n3A_135 = arith.select %eq3A_128, %add3A_132, %broadcast_in_dim3A_134 : vector<16xi1>, vector<16xi32>
        %reduce_min3A = arith.constant true
        %reduce_min3A_136 = vector.broadcast %reduce_min3A : i1 to vector<16xi1>
        %reduce_min3A_137 = arith.constant -2147483648 : i32
        %reduce_min3A_138 = vector.broadcast %reduce_min3A_137 : i32 to vector<16xi32>
        %reduce_min3A_139 = arith.xori %select_n3A_135, %reduce_min3A_138 : vector<16xi32>
        %reduce_min3A_140 = tpu.scan <min>, %reduce_min3A_139 masked %reduce_min3A_136 : vector<16xi32>, vector<16xi1> -> vector<16xi32>
        %reduce_min3A_141 = arith.xori %reduce_min3A_140, %reduce_min3A_138 : vector<16xi32>
        %reduce_min3A_142 = vector.extract %reduce_min3A_141[15] : i32 from vector<16xi32>
        scf.yield %reduce_min3A_142, %select_n3A_104, %select_n3A_108, %select_n3A_112 : i32, vector<16xf32>, vector<16xf32>, vector<16xf32>
      }
      %scan3A_17 = arith.constant 512 : i32
      "tpu.region"() ({
        %run_scoped3A = tpu.sem_alloc : memref<!tpu.dma_semaphore, #tpu.memory_space<semaphore_mem>>
        %dma_start3A = arith.constant 0 : i32
        %dma_start3A_18 = tpu.memref_slice %arg16[%arg1, %dma_start3A] : memref<8x512xf32, #tpu.memory_space<hbm>> -> memref<1x512xf32, #tpu.memory_space<hbm>>
        %dma_start3A_19 = tpu.memref_squeeze %dma_start3A_18 : memref<1x512xf32, #tpu.memory_space<hbm>> -> memref<512xf32, #tpu.memory_space<hbm>>
        %dma_start3A_20 = arith.constant 0 : i32
        %dma_start3A_21 = tpu.memref_slice %arg16[%arg1, %dma_start3A_20] : memref<8x512xf32, #tpu.memory_space<hbm>> -> memref<1x512xf32, #tpu.memory_space<hbm>>
        %dma_start3A_22 = tpu.memref_squeeze %dma_start3A_21 : memref<1x512xf32, #tpu.memory_space<hbm>> -> memref<512xf32, #tpu.memory_space<hbm>>
        tpu.enqueue_dma source(%arg37 : memref<512xf32, #tpu.memory_space<vmem>>) target(%dma_start3A_22 : memref<512xf32, #tpu.memory_space<hbm>>) target_semaphore(%run_scoped3A : memref<!tpu.dma_semaphore, #tpu.memory_space<semaphore_mem>>)
        %dma_wait3A = arith.constant 0 : i32
        %dma_wait3A_23 = tpu.memref_slice %arg16[%arg1, %dma_wait3A] : memref<8x512xf32, #tpu.memory_space<hbm>> -> memref<1x512xf32, #tpu.memory_space<hbm>>
        %dma_wait3A_24 = tpu.memref_squeeze %dma_wait3A_23 : memref<1x512xf32, #tpu.memory_space<hbm>> -> memref<512xf32, #tpu.memory_space<hbm>>
        %dma_wait3A_25 = arith.constant 0 : i32
        %dma_wait3A_26 = tpu.memref_slice %arg16[%arg1, %dma_wait3A_25] : memref<8x512xf32, #tpu.memory_space<hbm>> -> memref<1x512xf32, #tpu.memory_space<hbm>>
        %dma_wait3A_27 = tpu.memref_squeeze %dma_wait3A_26 : memref<1x512xf32, #tpu.memory_space<hbm>> -> memref<512xf32, #tpu.memory_space<hbm>>
        tpu.wait_dma2 semaphore(%run_scoped3A : memref<!tpu.dma_semaphore, #tpu.memory_space<semaphore_mem>>) src(%arg37 : memref<512xf32, #tpu.memory_space<vmem>>) dst(%dma_wait3A_27 : memref<512xf32, #tpu.memory_space<hbm>>)
        tpu.yield
      }) : () -> ()
      "tpu.region"() ({
        %run_scoped3A = tpu.sem_alloc : memref<!tpu.dma_semaphore, #tpu.memory_space<semaphore_mem>>
        %dma_start3A = arith.constant 0 : i32
        %dma_start3A_18 = tpu.memref_slice %arg17[%arg1, %dma_start3A] : memref<8x512xf32, #tpu.memory_space<hbm>> -> memref<1x512xf32, #tpu.memory_space<hbm>>
        %dma_start3A_19 = tpu.memref_squeeze %dma_start3A_18 : memref<1x512xf32, #tpu.memory_space<hbm>> -> memref<512xf32, #tpu.memory_space<hbm>>
        %dma_start3A_20 = arith.constant 0 : i32
        %dma_start3A_21 = tpu.memref_slice %arg17[%arg1, %dma_start3A_20] : memref<8x512xf32, #tpu.memory_space<hbm>> -> memref<1x512xf32, #tpu.memory_space<hbm>>
        %dma_start3A_22 = tpu.memref_squeeze %dma_start3A_21 : memref<1x512xf32, #tpu.memory_space<hbm>> -> memref<512xf32, #tpu.memory_space<hbm>>
        tpu.enqueue_dma source(%arg38 : memref<512xf32, #tpu.memory_space<vmem>>) target(%dma_start3A_22 : memref<512xf32, #tpu.memory_space<hbm>>) target_semaphore(%run_scoped3A : memref<!tpu.dma_semaphore, #tpu.memory_space<semaphore_mem>>)
        %dma_wait3A = arith.constant 0 : i32
        %dma_wait3A_23 = tpu.memref_slice %arg17[%arg1, %dma_wait3A] : memref<8x512xf32, #tpu.memory_space<hbm>> -> memref<1x512xf32, #tpu.memory_space<hbm>>
        %dma_wait3A_24 = tpu.memref_squeeze %dma_wait3A_23 : memref<1x512xf32, #tpu.memory_space<hbm>> -> memref<512xf32, #tpu.memory_space<hbm>>
        %dma_wait3A_25 = arith.constant 0 : i32
        %dma_wait3A_26 = tpu.memref_slice %arg17[%arg1, %dma_wait3A_25] : memref<8x512xf32, #tpu.memory_space<hbm>> -> memref<1x512xf32, #tpu.memory_space<hbm>>
        %dma_wait3A_27 = tpu.memref_squeeze %dma_wait3A_26 : memref<1x512xf32, #tpu.memory_space<hbm>> -> memref<512xf32, #tpu.memory_space<hbm>>
        tpu.wait_dma2 semaphore(%run_scoped3A : memref<!tpu.dma_semaphore, #tpu.memory_space<semaphore_mem>>) src(%arg38 : memref<512xf32, #tpu.memory_space<vmem>>) dst(%dma_wait3A_27 : memref<512xf32, #tpu.memory_space<hbm>>)
        tpu.yield
      }) : () -> ()
      "tpu.region"() ({
        %run_scoped3A = tpu.sem_alloc : memref<!tpu.dma_semaphore, #tpu.memory_space<semaphore_mem>>
        %dma_start3A = arith.constant 0 : i32
        %dma_start3A_18 = tpu.memref_slice %arg18[%arg1, %dma_start3A] : memref<8x512xf32, #tpu.memory_space<hbm>> -> memref<1x512xf32, #tpu.memory_space<hbm>>
        %dma_start3A_19 = tpu.memref_squeeze %dma_start3A_18 : memref<1x512xf32, #tpu.memory_space<hbm>> -> memref<512xf32, #tpu.memory_space<hbm>>
        %dma_start3A_20 = arith.constant 0 : i32
        %dma_start3A_21 = tpu.memref_slice %arg18[%arg1, %dma_start3A_20] : memref<8x512xf32, #tpu.memory_space<hbm>> -> memref<1x512xf32, #tpu.memory_space<hbm>>
        %dma_start3A_22 = tpu.memref_squeeze %dma_start3A_21 : memref<1x512xf32, #tpu.memory_space<hbm>> -> memref<512xf32, #tpu.memory_space<hbm>>
        tpu.enqueue_dma source(%arg39 : memref<512xf32, #tpu.memory_space<vmem>>) target(%dma_start3A_22 : memref<512xf32, #tpu.memory_space<hbm>>) target_semaphore(%run_scoped3A : memref<!tpu.dma_semaphore, #tpu.memory_space<semaphore_mem>>)
        %dma_wait3A = arith.constant 0 : i32
        %dma_wait3A_23 = tpu.memref_slice %arg18[%arg1, %dma_wait3A] : memref<8x512xf32, #tpu.memory_space<hbm>> -> memref<1x512xf32, #tpu.memory_space<hbm>>
        %dma_wait3A_24 = tpu.memref_squeeze %dma_wait3A_23 : memref<1x512xf32, #tpu.memory_space<hbm>> -> memref<512xf32, #tpu.memory_space<hbm>>
        %dma_wait3A_25 = arith.constant 0 : i32
        %dma_wait3A_26 = tpu.memref_slice %arg18[%arg1, %dma_wait3A_25] : memref<8x512xf32, #tpu.memory_space<hbm>> -> memref<1x512xf32, #tpu.memory_space<hbm>>
        %dma_wait3A_27 = tpu.memref_squeeze %dma_wait3A_26 : memref<1x512xf32, #tpu.memory_space<hbm>> -> memref<512xf32, #tpu.memory_space<hbm>>
        tpu.wait_dma2 semaphore(%run_scoped3A : memref<!tpu.dma_semaphore, #tpu.memory_space<semaphore_mem>>) src(%arg39 : memref<512xf32, #tpu.memory_space<vmem>>) dst(%dma_wait3A_27 : memref<512xf32, #tpu.memory_space<hbm>>)
        tpu.yield
      }) : () -> ()
    } else {
    }
    return
  }
}

module attributes {stable_mosaic.version = 14 : i64} {
  func.func @_chol_body(%arg0: memref<8x256xf32, #tpu.memory_space<vmem>>, %arg1: memref<8x256xf32, #tpu.memory_space<vmem>>, %arg2: memref<8x256xf32, #tpu.memory_space<vmem>>, %arg3: memref<8x256xf32, #tpu.memory_space<vmem>>, %arg4: memref<8x256xf32, #tpu.memory_space<vmem>>, %arg5: memref<8x256xf32, #tpu.memory_space<vmem>>, %arg6: memref<8x256xf32, #tpu.memory_space<vmem>>, %arg7: memref<8x256xf32, #tpu.memory_space<vmem>>, %arg8: memref<8x256xf32, #tpu.memory_space<vmem>>, %arg9: memref<8x256xf32, #tpu.memory_space<vmem>>, %arg10: memref<8x256xf32, #tpu.memory_space<vmem>>, %arg11: memref<8x256xf32, #tpu.memory_space<vmem>>) attributes {dimension_semantics = [], scalar_prefetch = 0 : i64, scratch_operands = 0 : i64, tpu.core_type = #tpu.core_type<tc>} {
    %get3A = arith.constant 0 : index
    %get3A_0 = arith.constant 0 : index
    %get3A_1 = vector.load %arg0[%get3A, %get3A_0] : memref<8x256xf32, #tpu.memory_space<vmem>>, vector<8x256xf32>
    %add3A = arith.constant 9.99999997E-7 : f32
    %add3A_2 = vector.broadcast %add3A : f32 to vector<8x256xf32>
    %add3A_3 = arith.addf %get3A_1, %add3A_2 : vector<8x256xf32>
    %sqrt3A = math.sqrt %add3A_3 : vector<8x256xf32>
    %get3A_4 = arith.constant 0 : index
    %get3A_5 = arith.constant 0 : index
    %get3A_6 = vector.load %arg1[%get3A_4, %get3A_5] : memref<8x256xf32, #tpu.memory_space<vmem>>, vector<8x256xf32>
    %div3A = arith.divf %get3A_6, %sqrt3A : vector<8x256xf32>
    %get3A_7 = arith.constant 0 : index
    %get3A_8 = arith.constant 0 : index
    %get3A_9 = vector.load %arg3[%get3A_7, %get3A_8] : memref<8x256xf32, #tpu.memory_space<vmem>>, vector<8x256xf32>
    %div3A_10 = arith.divf %get3A_9, %sqrt3A : vector<8x256xf32>
    %get3A_11 = arith.constant 0 : index
    %get3A_12 = arith.constant 0 : index
    %get3A_13 = vector.load %arg2[%get3A_11, %get3A_12] : memref<8x256xf32, #tpu.memory_space<vmem>>, vector<8x256xf32>
    %add3A_14 = arith.constant 9.99999997E-7 : f32
    %add3A_15 = vector.broadcast %add3A_14 : f32 to vector<8x256xf32>
    %add3A_16 = arith.addf %get3A_13, %add3A_15 : vector<8x256xf32>
    %mul3A = arith.mulf %div3A, %div3A : vector<8x256xf32>
    %sub3A = arith.subf %add3A_16, %mul3A : vector<8x256xf32>
    %sqrt3A_17 = math.sqrt %sub3A : vector<8x256xf32>
    %get3A_18 = arith.constant 0 : index
    %get3A_19 = arith.constant 0 : index
    %get3A_20 = vector.load %arg4[%get3A_18, %get3A_19] : memref<8x256xf32, #tpu.memory_space<vmem>>, vector<8x256xf32>
    %mul3A_21 = arith.mulf %div3A_10, %div3A : vector<8x256xf32>
    %sub3A_22 = arith.subf %get3A_20, %mul3A_21 : vector<8x256xf32>
    %div3A_23 = arith.divf %sub3A_22, %sqrt3A_17 : vector<8x256xf32>
    %get3A_24 = arith.constant 0 : index
    %get3A_25 = arith.constant 0 : index
    %get3A_26 = vector.load %arg5[%get3A_24, %get3A_25] : memref<8x256xf32, #tpu.memory_space<vmem>>, vector<8x256xf32>
    %add3A_27 = arith.constant 9.99999997E-7 : f32
    %add3A_28 = vector.broadcast %add3A_27 : f32 to vector<8x256xf32>
    %add3A_29 = arith.addf %get3A_26, %add3A_28 : vector<8x256xf32>
    %mul3A_30 = arith.mulf %div3A_10, %div3A_10 : vector<8x256xf32>
    %mul3A_31 = arith.mulf %div3A_23, %div3A_23 : vector<8x256xf32>
    %add3A_32 = arith.addf %mul3A_30, %mul3A_31 : vector<8x256xf32>
    %sub3A_33 = arith.subf %add3A_29, %add3A_32 : vector<8x256xf32>
    %sqrt3A_34 = math.sqrt %sub3A_33 : vector<8x256xf32>
    %swap3A = arith.constant 0 : index
    %swap3A_35 = arith.constant 0 : index
    %swap3A_36 = vector.load %arg6[%swap3A, %swap3A_35] : memref<8x256xf32, #tpu.memory_space<vmem>>, vector<8x256xf32>
    tpu.vector_store %arg6[%swap3A, %swap3A_35], %sqrt3A {strides = array<i32>} : memref<8x256xf32, #tpu.memory_space<vmem>>, vector<8x256xf32>,
    %swap3A_37 = arith.constant 0 : index
    %swap3A_38 = arith.constant 0 : index
    %swap3A_39 = vector.load %arg7[%swap3A_37, %swap3A_38] : memref<8x256xf32, #tpu.memory_space<vmem>>, vector<8x256xf32>
    tpu.vector_store %arg7[%swap3A_37, %swap3A_38], %div3A {strides = array<i32>} : memref<8x256xf32, #tpu.memory_space<vmem>>, vector<8x256xf32>,
    %swap3A_40 = arith.constant 0 : index
    %swap3A_41 = arith.constant 0 : index
    %swap3A_42 = vector.load %arg8[%swap3A_40, %swap3A_41] : memref<8x256xf32, #tpu.memory_space<vmem>>, vector<8x256xf32>
    tpu.vector_store %arg8[%swap3A_40, %swap3A_41], %sqrt3A_17 {strides = array<i32>} : memref<8x256xf32, #tpu.memory_space<vmem>>, vector<8x256xf32>,
    %swap3A_43 = arith.constant 0 : index
    %swap3A_44 = arith.constant 0 : index
    %swap3A_45 = vector.load %arg9[%swap3A_43, %swap3A_44] : memref<8x256xf32, #tpu.memory_space<vmem>>, vector<8x256xf32>
    tpu.vector_store %arg9[%swap3A_43, %swap3A_44], %div3A_10 {strides = array<i32>} : memref<8x256xf32, #tpu.memory_space<vmem>>, vector<8x256xf32>,
    %swap3A_46 = arith.constant 0 : index
    %swap3A_47 = arith.constant 0 : index
    %swap3A_48 = vector.load %arg10[%swap3A_46, %swap3A_47] : memref<8x256xf32, #tpu.memory_space<vmem>>, vector<8x256xf32>
    tpu.vector_store %arg10[%swap3A_46, %swap3A_47], %div3A_23 {strides = array<i32>} : memref<8x256xf32, #tpu.memory_space<vmem>>, vector<8x256xf32>,
    %swap3A_49 = arith.constant 0 : index
    %swap3A_50 = arith.constant 0 : index
    %swap3A_51 = vector.load %arg11[%swap3A_49, %swap3A_50] : memref<8x256xf32, #tpu.memory_space<vmem>>, vector<8x256xf32>
    tpu.vector_store %arg11[%swap3A_49, %swap3A_50], %sqrt3A_34 {strides = array<i32>} : memref<8x256xf32, #tpu.memory_space<vmem>>, vector<8x256xf32>,
    return
  }
}

module attributes {stable_mosaic.version = 14 : i64} {
  func.func @body(%arg0: i32, %arg1: memref<1x512x3xf32, #tpu.memory_space<vmem>>, %arg2: memref<1x3x512xf32, #tpu.memory_space<vmem>>, %arg3: memref<1x3x256xf32, #tpu.memory_space<vmem>>, %arg4: memref<1x1x256xf32, #tpu.memory_space<vmem>>, %arg5: memref<1x1x256xf32, #tpu.memory_space<vmem>>, %arg6: memref<1x1x512xf32, #tpu.memory_space<vmem>>, %arg7: memref<1x256x128xf32, #tpu.memory_space<vmem>>, %arg8: memref<1x512x128xf32, #tpu.memory_space<vmem>>, %arg9: memref<1x1x512xf32, #tpu.memory_space<vmem>>, %arg10: memref<1x512x256xf32, #tpu.memory_space<vmem>>) attributes {dimension_semantics = [#tpu.dimension_semantics<arbitrary>], iteration_bounds = array<i64: 8>, scalar_prefetch = 0 : i64, scratch_operands = 0 : i64, tpu.core_type = #tpu.core_type<tc>, window_params = [{transform_indices = @transform_0, window_bounds = array<i64: 1, 512, 3>}, {transform_indices = @transform_1, window_bounds = array<i64: 1, 3, 512>}, {transform_indices = @transform_2, window_bounds = array<i64: 1, 3, 256>}, {transform_indices = @transform_3, window_bounds = array<i64: 1, 1, 256>}, {transform_indices = @transform_4, window_bounds = array<i64: 1, 1, 256>}, {transform_indices = @transform_5, window_bounds = array<i64: 1, 1, 512>}, {transform_indices = @transform_6, window_bounds = array<i64: 1, 256, 128>}, {transform_indices = @transform_7, window_bounds = array<i64: 1, 512, 128>}, {transform_indices = @transform_8, window_bounds = array<i64: 1, 1, 512>}, {transform_indices = @transform_9, window_bounds = array<i64: 1, 512, 256>}]} {
    %get3A = arith.constant 0 : i32
    %get3A_0 = arith.constant 0 : i32
    %get3A_1 = arith.constant 0 : i32
    %get3A_2 = tpu.memref_slice %arg1[%get3A, %get3A_0, %get3A_1] : memref<1x512x3xf32, #tpu.memory_space<vmem>> -> memref<1x512x3xf32, #tpu.memory_space<vmem>>
    %get3A_3 = tpu.memref_squeeze %get3A_2 : memref<1x512x3xf32, #tpu.memory_space<vmem>> -> memref<512x3xf32, #tpu.memory_space<vmem>>
    %get3A_4 = arith.constant 0 : index
    %get3A_5 = arith.constant 0 : index
    %get3A_6 = vector.load %get3A_3[%get3A_4, %get3A_5] : memref<512x3xf32, #tpu.memory_space<vmem>>, vector<512x1xf32>
    %get3A_7 = arith.constant 0 : i32
    %get3A_8 = arith.constant 0 : i32
    %get3A_9 = arith.constant 0 : i32
    %get3A_10 = tpu.memref_slice %arg1[%get3A_7, %get3A_8, %get3A_9] : memref<1x512x3xf32, #tpu.memory_space<vmem>> -> memref<1x512x3xf32, #tpu.memory_space<vmem>>
    %get3A_11 = tpu.memref_squeeze %get3A_10 : memref<1x512x3xf32, #tpu.memory_space<vmem>> -> memref<512x3xf32, #tpu.memory_space<vmem>>
    %get3A_12 = arith.constant 0 : index
    %get3A_13 = arith.constant 1 : index
    %get3A_14 = vector.load %get3A_11[%get3A_12, %get3A_13] : memref<512x3xf32, #tpu.memory_space<vmem>>, vector<512x1xf32>
    %get3A_15 = arith.constant 0 : i32
    %get3A_16 = arith.constant 0 : i32
    %get3A_17 = arith.constant 0 : i32
    %get3A_18 = tpu.memref_slice %arg1[%get3A_15, %get3A_16, %get3A_17] : memref<1x512x3xf32, #tpu.memory_space<vmem>> -> memref<1x512x3xf32, #tpu.memory_space<vmem>>
    %get3A_19 = tpu.memref_squeeze %get3A_18 : memref<1x512x3xf32, #tpu.memory_space<vmem>> -> memref<512x3xf32, #tpu.memory_space<vmem>>
    %get3A_20 = arith.constant 0 : index
    %get3A_21 = arith.constant 2 : index
    %get3A_22 = vector.load %get3A_19[%get3A_20, %get3A_21] : memref<512x3xf32, #tpu.memory_space<vmem>>, vector<512x1xf32>
    %get3A_23 = arith.constant 0 : i32
    %get3A_24 = arith.constant 0 : i32
    %get3A_25 = arith.constant 0 : i32
    %get3A_26 = tpu.memref_slice %arg2[%get3A_23, %get3A_24, %get3A_25] : memref<1x3x512xf32, #tpu.memory_space<vmem>> -> memref<1x3x512xf32, #tpu.memory_space<vmem>>
    %get3A_27 = tpu.memref_squeeze %get3A_26 : memref<1x3x512xf32, #tpu.memory_space<vmem>> -> memref<3x512xf32, #tpu.memory_space<vmem>>
    %get3A_28 = arith.constant 0 : index
    %get3A_29 = arith.constant 0 : index
    %get3A_30 = vector.load %get3A_27[%get3A_28, %get3A_29] : memref<3x512xf32, #tpu.memory_space<vmem>>, vector<1x512xf32>
    %get3A_31 = arith.constant 0 : i32
    %get3A_32 = arith.constant 0 : i32
    %get3A_33 = arith.constant 0 : i32
    %get3A_34 = tpu.memref_slice %arg2[%get3A_31, %get3A_32, %get3A_33] : memref<1x3x512xf32, #tpu.memory_space<vmem>> -> memref<1x3x512xf32, #tpu.memory_space<vmem>>
    %get3A_35 = tpu.memref_squeeze %get3A_34 : memref<1x3x512xf32, #tpu.memory_space<vmem>> -> memref<3x512xf32, #tpu.memory_space<vmem>>
    %get3A_36 = arith.constant 1 : index
    %get3A_37 = arith.constant 0 : index
    %get3A_38 = vector.load %get3A_35[%get3A_36, %get3A_37] : memref<3x512xf32, #tpu.memory_space<vmem>>, vector<1x512xf32>
    %get3A_39 = arith.constant 0 : i32
    %get3A_40 = arith.constant 0 : i32
    %get3A_41 = arith.constant 0 : i32
    %get3A_42 = tpu.memref_slice %arg2[%get3A_39, %get3A_40, %get3A_41] : memref<1x3x512xf32, #tpu.memory_space<vmem>> -> memref<1x3x512xf32, #tpu.memory_space<vmem>>
    %get3A_43 = tpu.memref_squeeze %get3A_42 : memref<1x3x512xf32, #tpu.memory_space<vmem>> -> memref<3x512xf32, #tpu.memory_space<vmem>>
    %get3A_44 = arith.constant 2 : index
    %get3A_45 = arith.constant 0 : index
    %get3A_46 = vector.load %get3A_43[%get3A_44, %get3A_45] : memref<3x512xf32, #tpu.memory_space<vmem>>, vector<1x512xf32>
    %sub3A = vector.broadcast %get3A_6 : vector<512x1xf32> to vector<512x512xf32>
    %sub3A_47 = vector.broadcast %get3A_30 : vector<1x512xf32> to vector<512x512xf32>
    %sub3A_48 = arith.subf %sub3A, %sub3A_47 : vector<512x512xf32>
    %sub3A_49 = vector.broadcast %get3A_14 : vector<512x1xf32> to vector<512x512xf32>
    %sub3A_50 = vector.broadcast %get3A_38 : vector<1x512xf32> to vector<512x512xf32>
    %sub3A_51 = arith.subf %sub3A_49, %sub3A_50 : vector<512x512xf32>
    %sub3A_52 = vector.broadcast %get3A_22 : vector<512x1xf32> to vector<512x512xf32>
    %sub3A_53 = vector.broadcast %get3A_46 : vector<1x512xf32> to vector<512x512xf32>
    %sub3A_54 = arith.subf %sub3A_52, %sub3A_53 : vector<512x512xf32>
    %mul3A = arith.mulf %sub3A_48, %sub3A_48 : vector<512x512xf32>
    %mul3A_55 = arith.mulf %sub3A_51, %sub3A_51 : vector<512x512xf32>
    %add3A = arith.addf %mul3A, %mul3A_55 : vector<512x512xf32>
    %mul3A_56 = arith.mulf %sub3A_54, %sub3A_54 : vector<512x512xf32>
    %add3A_57 = arith.addf %add3A, %mul3A_56 : vector<512x512xf32>
    %iota3A = tpu.iota {dimensions = array<i32: 0>} : vector<512x512xi32>
    %iota3A_58 = tpu.iota {dimensions = array<i32: 1>} : vector<512x512xi32>
    %get3A_59 = arith.constant 0 : index
    %get3A_60 = arith.constant 0 : index
    %get3A_61 = arith.constant 0 : index
    %get3A_62 = vector.load %arg6[%get3A_59, %get3A_60, %get3A_61] : memref<1x1x512xf32, #tpu.memory_space<vmem>>, vector<1x1x512xf32>
    %get3A_63 = vector.shape_cast %get3A_62 : vector<1x1x512xf32> to vector<1x512xf32>
    %gt3A = arith.constant 5.000000e-01 : f32
    %gt3A_64 = vector.broadcast %gt3A : f32 to vector<1x512xf32>
    %gt3A_65 = arith.cmpf ogt, %get3A_63, %gt3A_64 : vector<1x512xf32>
    %ne3A = arith.cmpi ne, %iota3A, %iota3A_58 : vector<512x512xi32>
    %and3A = vector.broadcast %gt3A_65 : vector<1x512xi1> to vector<512x512xi1>
    %and3A_66 = arith.andi %and3A, %ne3A : vector<512x512xi1>
    %jit3A = arith.constant 1.000000e+10 : f32
    %broadcast_in_dim3A = vector.broadcast %jit3A : f32 to vector<512x512xf32>
    %select_n3A = arith.select %and3A_66, %add3A_57, %broadcast_in_dim3A : vector<512x512xi1>, vector<512x512xf32>
    %broadcast_in_dim3A_67 = arith.constant 0.000000e+00 : f32
    %broadcast_in_dim3A_68 = vector.broadcast %broadcast_in_dim3A_67 : f32 to vector<512x1xf32>
    %reduce_min3A = arith.constant dense<0x7F800000> : vector<512xf32>
    %reduce_min3A_69 = vector.multi_reduction <minimumf>, %select_n3A, %reduce_min3A [1] : vector<512x512xf32> to vector<512xf32>
    %broadcast_in_dim3A_70 = vector.shape_cast %reduce_min3A_69 : vector<512xf32> to vector<512x1xf32>
    %eq3A = vector.broadcast %broadcast_in_dim3A_70 : vector<512x1xf32> to vector<512x512xf32>
    %eq3A_71 = arith.cmpf oeq, %select_n3A, %eq3A : vector<512x512xf32>
    %jit3A_72 = arith.constant 512 : i32
    %broadcast_in_dim3A_73 = vector.broadcast %jit3A_72 : i32 to vector<512x512xi32>
    %select_n3A_74 = arith.select %eq3A_71, %iota3A_58, %broadcast_in_dim3A_73 : vector<512x512xi1>, vector<512x512xi32>
    %reduce_min3A_75 = arith.constant dense<2147483647> : vector<512xi32>
    %reduce_min3A_76 = vector.multi_reduction <minsi>, %select_n3A_74, %reduce_min3A_75 [1] : vector<512x512xi32> to vector<512xi32>
    %broadcast_in_dim3A_77 = vector.shape_cast %reduce_min3A_76 : vector<512xi32> to vector<512x1xi32>
    %eq3A_78 = vector.broadcast %broadcast_in_dim3A_77 : vector<512x1xi32> to vector<512x512xi32>
    %eq3A_79 = arith.cmpi eq, %iota3A_58, %eq3A_78 : vector<512x512xi32>
    %jit3A_80 = arith.constant 1.000000e+10 : f32
    %broadcast_in_dim3A_81 = vector.broadcast %jit3A_80 : f32 to vector<512x512xf32>
    %select_n3A_82 = arith.select %eq3A_79, %broadcast_in_dim3A_81, %select_n3A : vector<512x512xi1>, vector<512x512xf32>
    %jit3A_83 = arith.constant 9.99999996E-13 : f32
    %max3A = vector.broadcast %jit3A_83 : f32 to vector<512x1xf32>
    %max3A_84 = arith.maximumf %max3A, %broadcast_in_dim3A_70 : vector<512x1xf32>
    %sqrt3A = math.sqrt %max3A_84 : vector<512x1xf32>
    %add3A_85 = arith.addf %broadcast_in_dim3A_68, %sqrt3A : vector<512x1xf32>
    %reduce_min3A_86 = arith.constant dense<0x7F800000> : vector<512xf32>
    %reduce_min3A_87 = vector.multi_reduction <minimumf>, %select_n3A_82, %reduce_min3A_86 [1] : vector<512x512xf32> to vector<512xf32>
    %broadcast_in_dim3A_88 = vector.shape_cast %reduce_min3A_87 : vector<512xf32> to vector<512x1xf32>
    %eq3A_89 = vector.broadcast %broadcast_in_dim3A_88 : vector<512x1xf32> to vector<512x512xf32>
    %eq3A_90 = arith.cmpf oeq, %select_n3A_82, %eq3A_89 : vector<512x512xf32>
    %jit3A_91 = arith.constant 512 : i32
    %broadcast_in_dim3A_92 = vector.broadcast %jit3A_91 : i32 to vector<512x512xi32>
    %select_n3A_93 = arith.select %eq3A_90, %iota3A_58, %broadcast_in_dim3A_92 : vector<512x512xi1>, vector<512x512xi32>
    %reduce_min3A_94 = arith.constant dense<2147483647> : vector<512xi32>
    %reduce_min3A_95 = vector.multi_reduction <minsi>, %select_n3A_93, %reduce_min3A_94 [1] : vector<512x512xi32> to vector<512xi32>
    %broadcast_in_dim3A_96 = vector.shape_cast %reduce_min3A_95 : vector<512xi32> to vector<512x1xi32>
    %eq3A_97 = vector.broadcast %broadcast_in_dim3A_96 : vector<512x1xi32> to vector<512x512xi32>
    %eq3A_98 = arith.cmpi eq, %iota3A_58, %eq3A_97 : vector<512x512xi32>
    %jit3A_99 = arith.constant 1.000000e+10 : f32
    %broadcast_in_dim3A_100 = vector.broadcast %jit3A_99 : f32 to vector<512x512xf32>
    %select_n3A_101 = arith.select %eq3A_98, %broadcast_in_dim3A_100, %select_n3A_82 : vector<512x512xi1>, vector<512x512xf32>
    %jit3A_102 = arith.constant 9.99999996E-13 : f32
    %max3A_103 = vector.broadcast %jit3A_102 : f32 to vector<512x1xf32>
    %max3A_104 = arith.maximumf %max3A_103, %broadcast_in_dim3A_88 : vector<512x1xf32>
    %sqrt3A_105 = math.sqrt %max3A_104 : vector<512x1xf32>
    %add3A_106 = arith.addf %add3A_85, %sqrt3A_105 : vector<512x1xf32>
    %reduce_min3A_107 = arith.constant dense<0x7F800000> : vector<512xf32>
    %reduce_min3A_108 = vector.multi_reduction <minimumf>, %select_n3A_101, %reduce_min3A_107 [1] : vector<512x512xf32> to vector<512xf32>
    %broadcast_in_dim3A_109 = vector.shape_cast %reduce_min3A_108 : vector<512xf32> to vector<512x1xf32>
    %eq3A_110 = vector.broadcast %broadcast_in_dim3A_109 : vector<512x1xf32> to vector<512x512xf32>
    %eq3A_111 = arith.cmpf oeq, %select_n3A_101, %eq3A_110 : vector<512x512xf32>
    %jit3A_112 = arith.constant 512 : i32
    %broadcast_in_dim3A_113 = vector.broadcast %jit3A_112 : i32 to vector<512x512xi32>
    %select_n3A_114 = arith.select %eq3A_111, %iota3A_58, %broadcast_in_dim3A_113 : vector<512x512xi1>, vector<512x512xi32>
    %reduce_min3A_115 = arith.constant dense<2147483647> : vector<512xi32>
    %reduce_min3A_116 = vector.multi_reduction <minsi>, %select_n3A_114, %reduce_min3A_115 [1] : vector<512x512xi32> to vector<512xi32>
    %broadcast_in_dim3A_117 = vector.shape_cast %reduce_min3A_116 : vector<512xi32> to vector<512x1xi32>
    %eq3A_118 = vector.broadcast %broadcast_in_dim3A_117 : vector<512x1xi32> to vector<512x512xi32>
    %eq3A_119 = arith.cmpi eq, %iota3A_58, %eq3A_118 : vector<512x512xi32>
    %jit3A_120 = arith.constant 1.000000e+10 : f32
    %broadcast_in_dim3A_121 = vector.broadcast %jit3A_120 : f32 to vector<512x512xf32>
    %select_n3A_122 = arith.select %eq3A_119, %broadcast_in_dim3A_121, %select_n3A_101 : vector<512x512xi1>, vector<512x512xf32>
    %jit3A_123 = arith.constant 9.99999996E-13 : f32
    %max3A_124 = vector.broadcast %jit3A_123 : f32 to vector<512x1xf32>
    %max3A_125 = arith.maximumf %max3A_124, %broadcast_in_dim3A_109 : vector<512x1xf32>
    %sqrt3A_126 = math.sqrt %max3A_125 : vector<512x1xf32>
    %add3A_127 = arith.addf %add3A_106, %sqrt3A_126 : vector<512x1xf32>
    %reduce_min3A_128 = arith.constant dense<0x7F800000> : vector<512xf32>
    %reduce_min3A_129 = vector.multi_reduction <minimumf>, %select_n3A_122, %reduce_min3A_128 [1] : vector<512x512xf32> to vector<512xf32>
    %broadcast_in_dim3A_130 = vector.shape_cast %reduce_min3A_129 : vector<512xf32> to vector<512x1xf32>
    %jit3A_131 = arith.constant 9.99999996E-13 : f32
    %max3A_132 = vector.broadcast %jit3A_131 : f32 to vector<512x1xf32>
    %max3A_133 = arith.maximumf %max3A_132, %broadcast_in_dim3A_130 : vector<512x1xf32>
    %sqrt3A_134 = math.sqrt %max3A_133 : vector<512x1xf32>
    %add3A_135 = arith.addf %add3A_127, %sqrt3A_134 : vector<512x1xf32>
    %mul3A_136 = arith.constant 2.500000e-01 : f32
    %mul3A_137 = vector.broadcast %mul3A_136 : f32 to vector<512x1xf32>
    %mul3A_138 = arith.mulf %add3A_135, %mul3A_137 : vector<512x1xf32>
    %mul3A_139 = arith.constant 6.000000e-01 : f32
    %mul3A_140 = vector.broadcast %mul3A_139 : f32 to vector<512x1xf32>
    %mul3A_141 = arith.mulf %mul3A_140, %mul3A_138 : vector<512x1xf32>
    %jit3A_142 = arith.constant 3.000000e-02 : f32
    %jit3A_143 = arith.constant 2.000000e+00 : f32
    %max3A_144 = vector.broadcast %jit3A_142 : f32 to vector<512x1xf32>
    %max3A_145 = arith.maximumf %max3A_144, %mul3A_141 : vector<512x1xf32>
    %min3A = vector.broadcast %jit3A_143 : f32 to vector<512x1xf32>
    %min3A_146 = arith.minimumf %min3A, %max3A_145 : vector<512x1xf32>
    %reshape3A = vector.shape_cast %min3A_146 : vector<512x1xf32> to vector<1x512xf32>
    %swap3A = arith.constant 0 : index
    %swap3A_147 = arith.constant 0 : index
    %swap3A_148 = arith.constant 0 : index
    %swap3A_149 = vector.load %arg9[%swap3A, %swap3A_147, %swap3A_148] : memref<1x1x512xf32, #tpu.memory_space<vmem>>, vector<1x1x512xf32>
    %swap3A_150 = vector.shape_cast %swap3A_149 : vector<1x1x512xf32> to vector<1x512xf32>
    %swap3A_151 = vector.shape_cast %reshape3A : vector<1x512xf32> to vector<1x1x512xf32>
    tpu.vector_store %arg9[%swap3A, %swap3A_147, %swap3A_148], %swap3A_151 {strides = array<i32>} : memref<1x1x512xf32, #tpu.memory_space<vmem>>, vector<1x1x512xf32>,
    %get3A_152 = arith.constant 0 : i32
    %get3A_153 = arith.constant 0 : i32
    %get3A_154 = arith.constant 0 : i32
    %get3A_155 = tpu.memref_slice %arg3[%get3A_152, %get3A_153, %get3A_154] : memref<1x3x256xf32, #tpu.memory_space<vmem>> -> memref<1x3x256xf32, #tpu.memory_space<vmem>>
    %get3A_156 = tpu.memref_squeeze %get3A_155 : memref<1x3x256xf32, #tpu.memory_space<vmem>> -> memref<3x256xf32, #tpu.memory_space<vmem>>
    %get3A_157 = arith.constant 0 : index
    %get3A_158 = arith.constant 0 : index
    %get3A_159 = vector.load %get3A_156[%get3A_157, %get3A_158] : memref<3x256xf32, #tpu.memory_space<vmem>>, vector<1x256xf32>
    %get3A_160 = arith.constant 0 : i32
    %get3A_161 = arith.constant 0 : i32
    %get3A_162 = arith.constant 0 : i32
    %get3A_163 = tpu.memref_slice %arg3[%get3A_160, %get3A_161, %get3A_162] : memref<1x3x256xf32, #tpu.memory_space<vmem>> -> memref<1x3x256xf32, #tpu.memory_space<vmem>>
    %get3A_164 = tpu.memref_squeeze %get3A_163 : memref<1x3x256xf32, #tpu.memory_space<vmem>> -> memref<3x256xf32, #tpu.memory_space<vmem>>
    %get3A_165 = arith.constant 1 : index
    %get3A_166 = arith.constant 0 : index
    %get3A_167 = vector.load %get3A_164[%get3A_165, %get3A_166] : memref<3x256xf32, #tpu.memory_space<vmem>>, vector<1x256xf32>
    %get3A_168 = arith.constant 0 : i32
    %get3A_169 = arith.constant 0 : i32
    %get3A_170 = arith.constant 0 : i32
    %get3A_171 = tpu.memref_slice %arg3[%get3A_168, %get3A_169, %get3A_170] : memref<1x3x256xf32, #tpu.memory_space<vmem>> -> memref<1x3x256xf32, #tpu.memory_space<vmem>>
    %get3A_172 = tpu.memref_squeeze %get3A_171 : memref<1x3x256xf32, #tpu.memory_space<vmem>> -> memref<3x256xf32, #tpu.memory_space<vmem>>
    %get3A_173 = arith.constant 2 : index
    %get3A_174 = arith.constant 0 : index
    %get3A_175 = vector.load %get3A_172[%get3A_173, %get3A_174] : memref<3x256xf32, #tpu.memory_space<vmem>>, vector<1x256xf32>
    %sub3A_176 = vector.broadcast %get3A_6 : vector<512x1xf32> to vector<512x256xf32>
    %sub3A_177 = vector.broadcast %get3A_159 : vector<1x256xf32> to vector<512x256xf32>
    %sub3A_178 = arith.subf %sub3A_176, %sub3A_177 : vector<512x256xf32>
    %sub3A_179 = vector.broadcast %get3A_14 : vector<512x1xf32> to vector<512x256xf32>
    %sub3A_180 = vector.broadcast %get3A_167 : vector<1x256xf32> to vector<512x256xf32>
    %sub3A_181 = arith.subf %sub3A_179, %sub3A_180 : vector<512x256xf32>
    %sub3A_182 = vector.broadcast %get3A_22 : vector<512x1xf32> to vector<512x256xf32>
    %sub3A_183 = vector.broadcast %get3A_175 : vector<1x256xf32> to vector<512x256xf32>
    %sub3A_184 = arith.subf %sub3A_182, %sub3A_183 : vector<512x256xf32>
    %mul3A_185 = arith.mulf %sub3A_178, %sub3A_178 : vector<512x256xf32>
    %mul3A_186 = arith.mulf %sub3A_181, %sub3A_181 : vector<512x256xf32>
    %add3A_187 = arith.addf %mul3A_185, %mul3A_186 : vector<512x256xf32>
    %mul3A_188 = arith.mulf %sub3A_184, %sub3A_184 : vector<512x256xf32>
    %add3A_189 = arith.addf %add3A_187, %mul3A_188 : vector<512x256xf32>
    %neg3A = arith.constant 0.000000e+00 : f32
    %neg3A_190 = vector.broadcast %neg3A : f32 to vector<512x256xf32>
    %neg3A_191 = arith.subf %neg3A_190, %add3A_189 : vector<512x256xf32>
    %div3A = arith.constant 2.000000e+00 : f32
    %div3A_192 = vector.broadcast %div3A : f32 to vector<512x256xf32>
    %div3A_193 = arith.divf %neg3A_191, %div3A_192 : vector<512x256xf32>
    %get3A_194 = arith.constant 0 : index
    %get3A_195 = arith.constant 0 : index
    %get3A_196 = arith.constant 0 : index
    %get3A_197 = vector.load %arg4[%get3A_194, %get3A_195, %get3A_196] : memref<1x1x256xf32, #tpu.memory_space<vmem>>, vector<1x1x256xf32>
    %get3A_198 = vector.shape_cast %get3A_197 : vector<1x1x256xf32> to vector<1x256xf32>
    %add3A_199 = vector.broadcast %get3A_198 : vector<1x256xf32> to vector<512x256xf32>
    %add3A_200 = arith.addf %div3A_193, %add3A_199 : vector<512x256xf32>
    %get3A_201 = arith.constant 0 : index
    %get3A_202 = arith.constant 0 : index
    %get3A_203 = arith.constant 0 : index
    %get3A_204 = vector.load %arg5[%get3A_201, %get3A_202, %get3A_203] : memref<1x1x256xf32, #tpu.memory_space<vmem>>, vector<1x1x256xf32>
    %get3A_205 = vector.shape_cast %get3A_204 : vector<1x1x256xf32> to vector<1x256xf32>
    %gt3A_206 = arith.constant 5.000000e-01 : f32
    %gt3A_207 = vector.broadcast %gt3A_206 : f32 to vector<1x256xf32>
    %gt3A_208 = arith.cmpf ogt, %get3A_205, %gt3A_207 : vector<1x256xf32>
    %jit3A_209 = arith.constant -1.000000e+09 : f32
    %broadcast_in_dim3A_210 = vector.shape_cast %gt3A_208 : vector<1x256xi1> to vector<1x256xi1>
    %broadcast_in_dim3A_211 = vector.broadcast %broadcast_in_dim3A_210 : vector<1x256xi1> to vector<512x256xi1>
    %broadcast_in_dim3A_212 = vector.broadcast %jit3A_209 : f32 to vector<512x256xf32>
    %select_n3A_213 = arith.select %broadcast_in_dim3A_211, %add3A_200, %broadcast_in_dim3A_212 : vector<512x256xi1>, vector<512x256xf32>
    %reduce_max3A = arith.constant dense<0xFF800000> : vector<512xf32>
    %reduce_max3A_214 = vector.multi_reduction <maximumf>, %select_n3A_213, %reduce_max3A [1] : vector<512x256xf32> to vector<512xf32>
    %broadcast_in_dim3A_215 = vector.shape_cast %reduce_max3A_214 : vector<512xf32> to vector<512x1xf32>
    %sub3A_216 = vector.broadcast %broadcast_in_dim3A_215 : vector<512x1xf32> to vector<512x256xf32>
    %sub3A_217 = arith.subf %select_n3A_213, %sub3A_216 : vector<512x256xf32>
    %exp3A = math.exp %sub3A_217 : vector<512x256xf32>
    %reduce_sum3A = arith.constant dense<0.000000e+00> : vector<512xf32>
    %reduce_sum3A_218 = vector.multi_reduction <add>, %exp3A, %reduce_sum3A [1] : vector<512x256xf32> to vector<512xf32>
    %broadcast_in_dim3A_219 = vector.shape_cast %reduce_sum3A_218 : vector<512xf32> to vector<512x1xf32>
    %div3A_220 = vector.broadcast %broadcast_in_dim3A_219 : vector<512x1xf32> to vector<512x256xf32>
    %div3A_221 = arith.divf %exp3A, %div3A_220 : vector<512x256xf32>
    %swap3A_222 = arith.constant 0 : index
    %swap3A_223 = arith.constant 0 : index
    %swap3A_224 = arith.constant 0 : index
    %swap3A_225 = vector.load %arg10[%swap3A_222, %swap3A_223, %swap3A_224] : memref<1x512x256xf32, #tpu.memory_space<vmem>>, vector<1x512x256xf32>
    %swap3A_226 = vector.shape_cast %swap3A_225 : vector<1x512x256xf32> to vector<512x256xf32>
    %swap3A_227 = vector.shape_cast %div3A_221 : vector<512x256xf32> to vector<1x512x256xf32>
    tpu.vector_store %arg10[%swap3A_222, %swap3A_223, %swap3A_224], %swap3A_227 {strides = array<i32>} : memref<1x512x256xf32, #tpu.memory_space<vmem>>, vector<1x512x256xf32>,
    %get3A_228 = arith.constant 0 : index
    %get3A_229 = arith.constant 0 : index
    %get3A_230 = arith.constant 0 : index
    %get3A_231 = vector.load %arg7[%get3A_228, %get3A_229, %get3A_230] : memref<1x256x128xf32, #tpu.memory_space<vmem>>, vector<1x256x128xf32>
    %get3A_232 = vector.shape_cast %get3A_231 : vector<1x256x128xf32> to vector<256x128xf32>
    %dot_general3A = arith.constant dense<0.000000e+00> : vector<512x128xf32>
    %dot_general3A_233 = tpu.matmul %div3A_221, %get3A_232, %dot_general3A {dimension_numbers = #tpu.dot_dimension_numbers<[1], [0], [0], [1], [0, 0, 1, 1], [], []>, transpose_lhs_hint = false} : vector<512x256xf32>, vector<256x128xf32>, vector<512x128xf32> -> vector<512x128xf32>
    %transpose3A = tpu.transpose %get3A_63, [1, 0] : vector<1x512xf32> -> vector<512x1xf32>
    %mul3A_234 = vector.broadcast %transpose3A : vector<512x1xf32> to vector<512x128xf32>
    %mul3A_235 = arith.mulf %dot_general3A_233, %mul3A_234 : vector<512x128xf32>
    %swap3A_236 = arith.constant 0 : index
    %swap3A_237 = arith.constant 0 : index
    %swap3A_238 = arith.constant 0 : index
    %swap3A_239 = vector.load %arg8[%swap3A_236, %swap3A_237, %swap3A_238] : memref<1x512x128xf32, #tpu.memory_space<vmem>>, vector<1x512x128xf32>
    %swap3A_240 = vector.shape_cast %swap3A_239 : vector<1x512x128xf32> to vector<512x128xf32>
    %swap3A_241 = vector.shape_cast %mul3A_235 : vector<512x128xf32> to vector<1x512x128xf32>
    tpu.vector_store %arg8[%swap3A_236, %swap3A_237, %swap3A_238], %swap3A_241 {strides = array<i32>} : memref<1x512x128xf32, #tpu.memory_space<vmem>>, vector<1x512x128xf32>,
    return
  }
  func.func @transform_0(%arg0: i32) -> (i32, i32, i32) {
    %c0_i32 = arith.constant 0 : i32
    %c0_i32_0 = arith.constant 0 : i32
    %c0_i32_1 = arith.constant 0 : i32
    return %arg0, %c0_i32, %c0_i32_0 : i32, i32, i32
  }
  func.func @transform_1(%arg0: i32) -> (i32, i32, i32) {
    %c0_i32 = arith.constant 0 : i32
    %c0_i32_0 = arith.constant 0 : i32
    %c0_i32_1 = arith.constant 0 : i32
    return %arg0, %c0_i32, %c0_i32_0 : i32, i32, i32
  }
  func.func @transform_2(%arg0: i32) -> (i32, i32, i32) {
    %c0_i32 = arith.constant 0 : i32
    %c0_i32_0 = arith.constant 0 : i32
    %c0_i32_1 = arith.constant 0 : i32
    return %arg0, %c0_i32, %c0_i32_0 : i32, i32, i32
  }
  func.func @transform_3(%arg0: i32) -> (i32, i32, i32) {
    %c0_i32 = arith.constant 0 : i32
    %c0_i32_0 = arith.constant 0 : i32
    %c0_i32_1 = arith.constant 0 : i32
    return %arg0, %c0_i32, %c0_i32_0 : i32, i32, i32
  }
  func.func @transform_4(%arg0: i32) -> (i32, i32, i32) {
    %c0_i32 = arith.constant 0 : i32
    %c0_i32_0 = arith.constant 0 : i32
    %c0_i32_1 = arith.constant 0 : i32
    return %arg0, %c0_i32, %c0_i32_0 : i32, i32, i32
  }
  func.func @transform_5(%arg0: i32) -> (i32, i32, i32) {
    %c0_i32 = arith.constant 0 : i32
    %c0_i32_0 = arith.constant 0 : i32
    %c0_i32_1 = arith.constant 0 : i32
    return %arg0, %c0_i32, %c0_i32_0 : i32, i32, i32
  }
  func.func @transform_6(%arg0: i32) -> (i32, i32, i32) {
    %c0_i32 = arith.constant 0 : i32
    %c0_i32_0 = arith.constant 0 : i32
    %c0_i32_1 = arith.constant 0 : i32
    return %arg0, %c0_i32, %c0_i32_0 : i32, i32, i32
  }
  func.func @transform_7(%arg0: i32) -> (i32, i32, i32) {
    %c0_i32 = arith.constant 0 : i32
    %c0_i32_0 = arith.constant 0 : i32
    %c0_i32_1 = arith.constant 0 : i32
    return %arg0, %c0_i32, %c0_i32_0 : i32, i32, i32
  }
  func.func @transform_8(%arg0: i32) -> (i32, i32, i32) {
    %c0_i32 = arith.constant 0 : i32
    %c0_i32_0 = arith.constant 0 : i32
    %c0_i32_1 = arith.constant 0 : i32
    return %arg0, %c0_i32, %c0_i32_0 : i32, i32, i32
  }
  func.func @transform_9(%arg0: i32) -> (i32, i32, i32) {
    %c0_i32 = arith.constant 0 : i32
    %c0_i32_0 = arith.constant 0 : i32
    %c0_i32_1 = arith.constant 0 : i32
    return %arg0, %c0_i32, %c0_i32_0 : i32, i32, i32
  }
}

</mosaic_0001>

<sc_bundles>
// kernel: kernel.7.cloned.1.call-start
scs
__scs_entry_jumppad:
0x0: {  	(pc) =	sbr.rel $0x88, $3  }
0x1: {  	(tag) =	ssettag $0x0;
	lr =	simm.s32 $0x1  }
0x2: {  	[smem:$0x3F9B] =	sst lr;
	_ =	strace $0xD0000000  }
0x3: {  	_ = 	snop  }
0x4: {  	_ = 	snop  }
0x5: {  	_ = 	snop  }
0x6: {  	_ = 	snop  }
0x7: {  	_ = 	snop  }
__scs_overlays_trampoline_lowered:
0x8: {  	[smem:$0x3FAA] =	sst s0  }
0x9: {  	[smem:$0x3FAB] =	sst s1  }
0xa: {  	[smem:$0x3FAC] =	sst s2  }
0xb: {  	[smem:$0x3FAD] =	sst s3  }
0xc: {  	[smem:$0x3FAE] =	sst s4  }
0xd: {  	[smem:$0x3FAF] =	sst s5  }
0xe: {  	[smem:$0x3FB0] =	sst s6  }
0xf: {  	[smem:$0x3FB1] =	sst s7  }
0x10: {  	[smem:$0x3FB2] =	sst s8  }
0x11: {  	[smem:$0x3FB3] =	sst s9;
	s0 =	simm.s32 @!p0 $0x0  }
0x12: {  	s1 =	sld [smem:$0x3F99];
	s0 =	simm.s32 @p0 $0x1  }
0x13: {  	[smem:$0x3FB4] =	sst s0;
	s0 =	simm.s32 @!p1 $0x0  }
0x14: {  	s2 =	sld [smem:$0x3F98];
	s0 =	simm.s32 @p1 $0x1  }
0x15: {  	[smem:$0x3FB5] =	sst s0;
	s0 =	simm.s32 @!p2 $0x0  }
0x16: {  	s3 =	sld [smem:$0x3FDB];
	s0 =	simm.s32 @p2 $0x1  }
0x17: {  	s4 =	simm.s32 $0x1BF5;
	[smem:$0x3FB7] =	sst s0  }
0x18: {  	s0 =	sld [smem:$0x3F9A];
	_ =	swait.ge [sflag:s4], $0x0  }
0x19: {  	s7 =	sld [smem:$0x3F9B]  }
0x1a: {  	s8 =	sadd.s32 $0xFFFFE003, lr  }
0x1b: {  	s9 =	sadd.s32 $0xFFFFFEF7, lr;
	s5 =	simm.s32 $0xFFFFFFFF;
	p2 =	slt.u32 s8, $0xFFFFF086  }
0x1c: {  	p1 =	slt.u32 s9, $0xF7A;
	s5 =	simm.s32 @!p2 $0x0  }
0x1d: {  	s5 =	simm.s32 @p1 $0x1;
	p0 =	seq.s32 s7, s2  }
0x1e: {  	s7 =	smul.u32 @!p0 $0xF7A, s2;
	p2 =	seq.s32 @!p0 s5, $0x0  }
0x1f: {  	s9 =	smul.u32 $0xF7A, s1;
	s8 =	simm.s32 @!p0 $0x1BF5;
	p2 =	por !p2, p0  }
0x20: {  	[sflag:s8] =	ssyncset.s32 @!p0 $0xFFFFF086;
	s6 =	sadd.s32 @!p0 s3, s7;
	s7 =	simm.s32 @!p0 $0x108  }
0x21: {  	s3 =	sadd.s32 s3, s9;
	s6 =	sadd.s32 @!p0 $0x88, s6;
	s7 =	simm.s32 @p2 $0x1082  }
0x22: {  	[simem:s7], [sflag:s8] =	dma.local @!p0 [hbm:s6], $0xF7A  }
0x23: {  	s9 =	sor.u32 $0xD0000000, s2;
	s6 =	simm.s32 $0x108;
	_ =	swait.ge @!p0 [sflag:s8], $0x0  }
0x24: {  	s3 =	sadd.s32 $0x88, s3;
	s6 =	simm.s32 @!p1 $0x1082;
	[sflag:s4] =	ssyncset.s32 $0xFFFFF086  }
0x25: {  	[simem:s6], [sflag:s4] =	dma.local [hbm:s3], $0xF7A  }
0x26: {  	[smem:$0x3F9B] =	sst s1;
	(tag) =	ssettag s2;
	_ =	strace s9  }
0x27: {  	s1 =	sld [smem:$0x3FAB]  }
0x28: {  	s2 =	sld [smem:$0x3FAC]  }
0x29: {  	s4 =	sld [smem:$0x3FAE]  }
0x2a: {  	p0 =	seq.s32 s5, $0x0;
	s5 =	sld [smem:$0x3FAF]  }
0x2b: {  	s6 =	sld [smem:$0x3FB0]  }
0x2c: {  	s7 =	sld [smem:$0x3FB1]  }
0x2d: {  	s3 =	simm.s32 $0x108;
	s8 =	sld [smem:$0x3FB2]  }
0x2e: {  	s3 =	simm.s32 @!p0 $0x1082;
	s9 =	sld [smem:$0x3FB3]  }
0x2f: {  	lr =	sadd.s32 s0, s3;
	s0 =	sld [smem:$0x3FAA]  }
0x30: {  	s3 =	sld [smem:$0x3FAD]  }
0x31: {  	[smem:$0x3FB6] =	sst s10  }
0x32: {  	s10 =	sld [smem:$0x3FB4];
	_ =	sdelay $0x3  }
0x33: {  	p0 =	seq.s32 s10, $0x1;
	s10 =	sld [smem:$0x3FB6];
	_ =	sdelay $0x3  }
0x34: {  	[smem:$0x3FB6] =	sst s10  }
0x35: {  	s10 =	sld [smem:$0x3FB5];
	_ =	sdelay $0x3  }
0x36: {  	p1 =	seq.s32 s10, $0x1;
	s10 =	sld [smem:$0x3FB6];
	_ =	sdelay $0x3  }
0x37: {  	[smem:$0x3FB6] =	sst s10  }
0x38: {  	s10 =	sld [smem:$0x3FB7]  }
0x39: {  	_ = 	snop;
	(pc) =	sbr.ind lr, $3  }
0x3a: {  	_ = 	snop  }
0x3b: {  	_ = 	snop  }
0x3c: {  	p2 =	seq.s32 s10, $0x1;
	s10 =	sld [smem:$0x3FB6]  }
0x3d: {  	_ =	shalt  }
0x3e: {  	_ =	shalt  }
0x3f: {  	_ =	shalt  }
0x40: {  	_ =	shalt  }
0x41: {  	_ =	shalt  }
0x42: {  	_ =	shalt  }
0x43: {  	_ =	shalt  }
0x44: {  	_ =	shalt  }
0x45: {  	_ =	shalt  }
0x46: {  	_ =	shalt  }
0x47: {  	_ =	shalt  }
0x48: {  	_ =	shalt  }
0x49: {  	_ =	shalt  }
0x4a: {  	_ =	shalt  }
0x4b: {  	_ =	shalt  }
0x4c: {  	_ =	shalt  }
0x4d: {  	_ =	shalt  }
0x4e: {  	_ =	shalt  }
0x4f: {  	_ =	shalt  }
0x50: {  	_ =	shalt  }
0x51: {  	_ =	shalt  }
0x52: {  	_ =	shalt  }
0x53: {  	_ =	shalt  }
0x54: {  	_ =	shalt  }
0x55: {  	_ =	shalt  }
0x56: {  	_ =	shalt  }
0x57: {  	_ =	shalt  }
0x58: {  	_ =	shalt  }
0x59: {  	_ =	shalt  }
0x5a: {  	_ =	shalt  }
0x5b: {  	_ =	shalt  }
0x5c: {  	_ =	shalt  }
0x5d: {  	_ =	shalt  }
0x5e: {  	_ =	shalt  }
0x5f: {  	_ =	shalt  }
0x60: {  	_ =	shalt  }
0x61: {  	_ =	shalt  }
0x62: {  	_ =	shalt  }
0x63: {  	_ =	shalt  }
0x64: {  	_ =	shalt  }
0x65: {  	_ =	shalt  }
0x66: {  	_ =	shalt  }
0x67: {  	_ =	shalt  }
0x68: {  	_ =	shalt  }
0x69: {  	_ =	shalt  }
0x6a: {  	_ =	shalt  }
0x6b: {  	_ =	shalt  }
0x6c: {  	_ =	shalt  }
0x6d: {  	_ =	shalt  }
0x6e: {  	_ =	shalt  }
0x6f: {  	_ =	shalt  }
0x70: {  	_ =	shalt  }
0x71: {  	_ =	shalt  }
0x72: {  	_ =	shalt  }
0x73: {  	_ =	shalt  }
0x74: {  	_ =	shalt  }
0x75: {  	_ =	shalt  }
0x76: {  	_ =	shalt  }
0x77: {  	_ =	shalt  }
0x78: {  	_ =	shalt  }
0x79: {  	_ =	shalt  }
0x7a: {  	_ =	shalt  }
0x7b: {  	_ =	shalt  }
0x7c: {  	_ =	shalt  }
0x7d: {  	_ =	shalt  }
0x7e: {  	_ =	shalt  }
0x7f: {  	_ =	shalt  }
0x80: {  	_ =	shalt  }
0x81: {  	_ =	shalt  }
0x82: {  	_ =	shalt  }
0x83: {  	_ =	shalt  }
0x84: {  	_ =	shalt  }
0x85: {  	_ =	shalt  }
0x86: {  	_ =	shalt  }
0x87: {  	_ =	shalt  }
.Lfunc_end0:
.L_simem_size_0:
called_computation_lowered:
.L_overlay_start_0:
0x88: {  	s2 =	sld [smem:$0x3FD9]  }
0x89: {  	s3 =	sld [smem:$0x3FFE];
	_ =	sdelay $0x1  }
0x8a: {  	s1 =	srdreg.scid  }
0x8b: {  	s0 =	sand.u32 $0x1, s1  }
0x8c: {  	s14 =	sshll.u32 s0, $0xA;
	s2 =	sadd.s32 s3, s2  }
0x8d: {  	s2 =	sadd.s32 s2, s14  }
0x8e: {  	[smem:$0x3FC2] =	sst s2  }
0x8f: {  	_ = 	snop  }
0x90: {  	s2 =	sld [smem:$0x3FD0];
	_ =	sdelay $0x2  }
0x91: {  	s15 =	simm.s32 $0xA;
	s4 =	simm.s32 $0x10  }
0x92: {  	[smem:s4], [sflag:s15] =	dma.local [hbm:s2], $0x1  }
0x93: {  	_ =	swait.eq [sflag:s15], $0x1  }
0x94: {  	s16 =	sld [smem:$0x10]  }
0x95: {  	s17 =	sld [smem:$0x11];
	[sflag:s15] =	ssyncset.done $0x0  }
0x96: {  	s5 =	sld [smem:$0x12];
	[sflag:s15] =	ssyncadd.s32 $0xFFFFFFFF  }
0x97: {  	s18 =	sld [smem:$0x13];
	(tm) =	ssettm $0x1  }
0x98: {  	s6 =	sld [smem:$0x3FFB];
	_ =	sdelay $0x3  }
0x99: {  	_ =	strace s6  }
0x9a: {  	s6 =	sld [smem:$0x3FFC];
	_ =	sdelay $0x3  }
0x9b: {  	_ =	strace s6  }
0x9c: {  	s6 =	sld [smem:$0x3FFD];
	_ =	sdelay $0x3  }
0x9d: {  	_ =	strace s6  }
0x9e: {  	_ =	strace $0x8FFFFFFF  }
0x9f: {  	s19 =	sld [smem:$0x3FDB];
	_ =	sdelay $0x1  }
0xa0: {  	s7 =	simm.s32 $_scs_section_size  }
0xa1: {  	s8 =	simm.s32 $_size__tile_overlayer_lowered;
	s9 =	simm.s32 $_tile_overlayer_lowered  }
0xa2: {  	s22 =	simm.s32 $0x1BFF;
	s21 =	sshll.u32 s9, $0x1;
	s6 =	sadd.s32 s7, s19  }
0xa3: {  	s10 =	simm.s32 $0x0;
	s20 =	sshll.u32 s8, $0x1;
	s8 =	sadd.s32 s21, s6  }
0xa4: {  	[timem:s10], [sflag:s22] =	dma.local [hbm:s8], s20  }
0xa5: {  	_ =	swait.ge [sflag:s22], s20  }
0xa6: {  	s7 =	ssub.s32 $0x0, s20;
	[sflag:s22] =	ssyncset.done $0x0  }
0xa7: {  	[sflag:s22] =	ssyncadd.s32 s7;
	_ =	sdelay $0x1  }
0xa8: {  	s23 =	simm.s32 $0x1B8B  }
0xa9: {  	_ =	swait.ge [sflag:s23], $0x1  }
0xaa: {  	[sflag:s23] =	ssyncset.done $0x0  }
0xab: {  	s25 =	simm.s32 $0x1B8E;
	s24 =	sld [smem:$0x3FFE];
	[sflag:s23] =	ssyncadd.s32 $0xFFFFFFFF  }
0xac: {  	s26 =	simm.s32 $execute0_lowered;
	[smem:$0x3FD2] =	sst s25  }
0xad: {  	s8 =	sshll.u32 s26, $0x1;
	_ =	strace $0x80000046;
	[dreg:$0x1] =	wrdreg $0xFFFFFFFF  }
0xae: {  	s28 =	simm.s32 $_size_execute0_lowered;
	s6 =	sadd.s32 s6, s8;
	[dreg:$0x0] =	wrdreg $0x0  }
0xaf: {  	s8 =	sshll.u32 s28, $0x1;
	[dreg:$0x2] =	wrdreg s6  }
0xb0: {  	[dreg:$0x3] =	wrdreg s8  }
0xb1: {  	[dreg:$0x4] =	wrdreg $0xC0  }
0xb2: {  	_ =	task [dreg:s10], $0x5FFFF  }
0xb3: {  	[dreg:$0x1] =	wrdreg $0xFFFFFFFF  }
0xb4: {  	[dreg:$0x0] =	wrdreg $0x60  }
0xb5: {  	[dreg:$0x2] =	wrdreg s5  }
0xb6: {  	[dreg:$0x3] =	wrdreg s24  }
0xb7: {  	[dreg:$0x4] =	wrdreg s18  }
0xb8: {  	[dreg:$0x5] =	wrdreg s16  }
0xb9: {  	[dreg:$0x6] =	wrdreg s17  }
0xba: {  	[dreg:$0x7] =	wrdreg $0x9  }
0xbb: {  	_ =	task.clear_ibuf [dreg:s10], $0x8FFFF;
	_ =	strace $0x90000046  }
0xbc: {  	s29 =	simm.s32 $0x9;
	_ =	strace $0x80000048  }
0xbd: {  	_ =	swait.ge [sflag:s29], $0x1  }
0xbe: {  	[sflag:s29] =	ssyncadd.s32 $0xFFFFFFFF  }
0xbf: {  	_ =	strace $0x90000048  }
0xc0: {  	_ =	sfence  }
0xc1: {  	s30 =	sld [smem:$0x0];
	_ =	sdelay $0x2  }
0xc2: {  	s31 =	sshll.u32 s1, $0xD;
	s1 =	sshrl.u32 s1, $0x2  }
0xc3: {  	s3 =	sand.u32 $0x4000, s31;
	s1 =	sadd.s32 s1, s30  }
0xc4: {  	s0 =	sor.u32 s3, s0;
	s1 =	sshll.u32 s1, $0x11  }
0xc5: {  	s0 =	sor.u32 s1, s0  }
0xc6: {  	s0 =	sadd.s32 $0x8F2B, s0  }
0xc7: {  	[sflag:s0] =	ssyncadd.remote.s32 $0x1  }
0xc8: {  	_ =	sfence.sel $0xFFFF  }
0xc9: {  	[dreg:$0x0] =	wrdreg $0xFFFFFFFF;
	(pc) =	sbr.abs _section_cstart, $3  }
0xca: {  	[dreg:$0x1] =	wrdreg $0xFFFFFFFF  }
0xcb: {  	_ =	task.clear_ibuf [dreg:s10], $0x2FFFF;
	_ =	strace $0x9FFFFFFF  }
0xcc: {  	(tm) =	ssettm $0x7FFFFFFF  }
0xcd: {  	_ =	shalt  }
tec
execute0_lowered:
.L_overlay_start_1:
0x0: {  	(tag) =	ssettag $0x1  }
0x1: {  	s0 =	srdreg.scid  }
0x2: {  	s0 =	sand.u32 $0x1, s0  }
0x3: {  	s1 =	stileid.u32;
	p0 =	seq.s32 s0, $0x1  }
0x4: {  	s6 =	rddreg [dreg:$0x0];
	p1 =	sgt.u32 @!p0 s1, $0x7  }
0x5: {  	s2 =	rddreg [dreg:$0x1];
	p0 =	por p0, p1  }
.Ltmp0:
0x6: {  	s8 =	rddreg [dreg:$0x2];
	(pc) =	sbr.rel @p0 .LBB2_8-.Ltmp0, $4  }
0x7: {  	s7 =	rddreg [dreg:$0x3]  }
0x8: {  	s3 =	rddreg [dreg:$0x4];
	s5 =	simm.s32 $0x0  }
0x9: {  	[smem:$0x7FF] =	sst s5  }
0xa: {  	s0 =	rddreg [dreg:$0x5];
	_ =	strace $0x80000047  }
0xb: {  	s4 =	sshll.u32 s1, $0x4;
	s17 =	simm.s32 $0x80  }
0xc: {  	s18 =	simm.s32 $0x400;
	s16 =	simm.s32 $0x1;
	s6 =	sadd.s32 s6, s4  }
0xd: {  	[tilespmem:s5], [sflag:$0x1] =	stream.strided.gather [hbm4b:s6+s17], $0xC00, s18, s17, $0x38;
	[tilespmem:$0x7000] =	vst v63  }
0xe: {  	_ =	swait.ge [sflag:s16], $0xC00  }
0xf: {  	s11 =	sadd.s32 $0x2400, s2;
	[sflag:s16] =	ssyncset.done $0x0  }
0x10: {  	s9 =	sadd.s32 s11, s4;
	s6 =	simm.s32 $0x3000;
	[sflag:s16] =	ssyncadd.s32 $0xFFFFF400  }
0x11: {  	[tilespmem:s6], [sflag:$0x1] =	stream.strided.gather [hbm4b:s9+s17], $0x100, s18, s17, $0x38;
	[tilespmem:$0x7000] =	vst v63  }
0x12: {  	_ =	swait.ge [sflag:s16], $0x100  }
0x13: {  	s12 =	sadd.s32 $0x2C00, s2;
	[sflag:s16] =	ssyncset.done $0x0  }
0x14: {  	s10 =	simm.s32 $0xC00;
	s9 =	sadd.s32 s12, s4;
	[sflag:s16] =	ssyncadd.s32 $0xFFFFFF00  }
0x15: {  	[tilespmem:s10], [sflag:$0x1] =	stream.strided.gather [hbm4b:s9+s17], $0xC00, s18, s17, $0x38;
	[tilespmem:$0x7000] =	vst v63  }
0x16: {  	_ =	swait.ge [sflag:s16], $0xC00  }
0x17: {  	[sflag:s16] =	ssyncset.done $0x0  }
0x18: {  	s13 =	simm.s32 $0x1800;
	s8 =	sadd.s32 s8, s4;
	[sflag:s16] =	ssyncadd.s32 $0xFFFFF400  }
0x19: {  	[tilespmem:s13], [sflag:$0x1] =	stream.strided.gather [hbm4b:s8+s17], $0xC00, s18, s17, $0x38;
	[tilespmem:$0x7000] =	vst v63  }
0x1a: {  	_ =	swait.ge [sflag:s16], $0xC00  }
0x1b: {  	[sflag:s16] =	ssyncset.done $0x0  }
0x1c: {  	s14 =	simm.s32 $0x2400;
	s7 =	sadd.s32 s7, s4;
	[sflag:s16] =	ssyncadd.s32 $0xFFFFF400  }
0x1d: {  	[tilespmem:s14], [sflag:$0x1] =	stream.strided.gather [hbm4b:s7+s17], $0xC00, s18, s17, $0x38;
	[tilespmem:$0x7000] =	vst v63  }
0x1e: {  	_ =	swait.ge [sflag:s16], $0xC00  }
0x1f: {  	s15 =	sadd.s32 $0x2A00, s2;
	[sflag:s16] =	ssyncset.done $0x0  }
0x20: {  	s19 =	sadd.s32 s15, s4;
	s7 =	simm.s32 $0x3100;
	[sflag:s16] =	ssyncadd.s32 $0xFFFFF400  }
0x21: {  	[tilespmem:s7], [sflag:$0x1] =	stream.strided.gather [hbm4b:s19+s17], $0x100, s18, s17, $0x38;
	[tilespmem:$0x7000] =	vst v63  }
0x22: {  	_ =	swait.ge [sflag:s16], $0x100  }
0x23: {  	s20 =	sadd.s32 $0x2800, s2;
	[sflag:s16] =	ssyncset.done $0x0  }
0x24: {  	s21 =	sadd.s32 s20, s4;
	s8 =	simm.s32 $0x3200;
	[sflag:s16] =	ssyncadd.s32 $0xFFFFFF00  }
0x25: {  	[tilespmem:s8], [sflag:$0x1] =	stream.strided.gather [hbm4b:s21+s17], $0x100, s18, s17, $0x38;
	[tilespmem:$0x7000] =	vst v63  }
0x26: {  	_ =	swait.ge [sflag:s16], $0x100  }
0x27: {  	s22 =	sadd.s32 $0x2600, s2;
	[sflag:s16] =	ssyncset.done $0x0  }
0x28: {  	s23 =	sadd.s32 s22, s4;
	s9 =	simm.s32 $0x3300;
	[sflag:s16] =	ssyncadd.s32 $0xFFFFFF00  }
0x29: {  	[tilespmem:s9], [sflag:$0x1] =	stream.strided.gather [hbm4b:s23+s17], $0x100, s18, s17, $0x38;
	[tilespmem:$0x7000] =	vst v63  }
0x2a: {  	_ =	swait.ge [sflag:s16], $0x100  }
0x2b: {  	s24 =	sadd.s32 $0x3E00, s2;
	[sflag:s16] =	ssyncset.done $0x0  }
0x2c: {  	s11 =	sadd.s32 s24, s4;
	s10 =	simm.s32 $0x3400;
	[sflag:s16] =	ssyncadd.s32 $0xFFFFFF00  }
0x2d: {  	[tilespmem:s10], [sflag:$0x1] =	stream.strided.gather [hbm4b:s11+s17], $0x100, s18, s17, $0x38;
	[tilespmem:$0x7000] =	vst v63  }
0x2e: {  	_ =	swait.ge [sflag:s16], $0x100  }
0x2f: {  	s25 =	sadd.s32 $0x4000, s2;
	[sflag:s16] =	ssyncset.done $0x0  }
0x30: {  	s12 =	sadd.s32 s25, s4;
	s11 =	simm.s32 $0x3500;
	[sflag:s16] =	ssyncadd.s32 $0xFFFFFF00  }
0x31: {  	[tilespmem:s11], [sflag:$0x1] =	stream.strided.gather [hbm4b:s12+s17], $0x100, s18, s17, $0x38;
	[tilespmem:$0x7000] =	vst v63  }
0x32: {  	_ =	swait.ge [sflag:s16], $0x100  }
0x33: {  	s26 =	sadd.s32 $0x2000, s2;
	[sflag:s16] =	ssyncset.done $0x0  }
0x34: {  	s13 =	sadd.s32 s26, s4;
	s12 =	simm.s32 $0x3600;
	[sflag:s16] =	ssyncadd.s32 $0xFFFFFF00  }
0x35: {  	[tilespmem:s12], [sflag:$0x1] =	stream.strided.gather [hbm4b:s13+s17], $0x100, s18, s17, $0x38;
	[tilespmem:$0x7000] =	vst v63  }
0x36: {  	_ =	swait.ge [sflag:s16], $0x100  }
0x37: {  	s28 =	sadd.s32 $0x3800, s2;
	[sflag:s16] =	ssyncset.done $0x0  }
0x38: {  	s14 =	sadd.s32 s28, s4;
	s13 =	simm.s32 $0x3700;
	[sflag:s16] =	ssyncadd.s32 $0xFFFFFF00  }
0x39: {  	[tilespmem:s13], [sflag:$0x1] =	stream.strided.gather [hbm4b:s14+s17], $0x100, s18, s17, $0x38;
	[tilespmem:$0x7000] =	vst v63  }
0x3a: {  	_ =	swait.ge [sflag:s16], $0x100  }
0x3b: {  	s29 =	sadd.s32 $0x3A00, s2;
	[sflag:s16] =	ssyncset.done $0x0  }
0x3c: {  	s15 =	sadd.s32 s29, s4;
	s14 =	simm.s32 $0x3800;
	[sflag:s16] =	ssyncadd.s32 $0xFFFFFF00  }
0x3d: {  	[tilespmem:s14], [sflag:$0x1] =	stream.strided.gather [hbm4b:s15+s17], $0x100, s18, s17, $0x38;
	[tilespmem:$0x7000] =	vst v63  }
0x3e: {  	_ =	swait.ge [sflag:s16], $0x100  }
0x3f: {  	s30 =	sadd.s32 $0x3C00, s2;
	[sflag:s16] =	ssyncset.done $0x0  }
0x40: {  	v0 =	vimm.s32 $0x7F;
	s19 =	sadd.s32 s30, s4;
	s15 =	simm.s32 $0x3900;
	[sflag:s16] =	ssyncadd.s32 $0xFFFFFF00  }
0x41: {  	[tilespmem:s15], [sflag:$0x1] =	stream.strided.gather [hbm4b:s19+s17], $0x100, s18, s17, $0x38;
	[tilespmem:$0x7000] =	vst v63  }
0x42: {  	s31 =	sadd.s32 s4, s2;
	_ =	swait.ge [sflag:s16], $0x100  }
0x43: {  	s2 =	sadd.s32 $0x4400, s31;
	[sflag:s16] =	ssyncset.done $0x0  }
0x44: {  	v1 =	vimm.s32 $0x0;
	v2 =	vimm.f32 $+Inf;
	s4 =	sadd.s32 s3, s4;
	s3 =	sadd.s32 $0x4200, s31;
	[sflag:s16] =	ssyncadd.s32 $0xFFFFFF00  }
.LBB2_2:
0x45: {  	s16 =	sshra.s32 s5, $0x2;
	v4 =	vld.idx.msk [tilespmem:v0+s6+$0x0], $0xffff  }
0x46: {  	v3 =	vld [tilespmem:s16+$0x0];
	_ =	sdelay $0x4  }
0x47: {  	vm0 =	vlt.f32 v4, v3  }
0x48: {  	v4 =	vsel vm0, $0x80, v1  }
0x49: {  	v5 =	vor.u32 $0x3F, v4;
	_ =	sdelay $0x4  }
0x4a: {  	v5 =	vld.idx.msk [tilespmem:v5+s6+$0x0], $0xffff;
	_ =	sdelay $0x4  }
0x4b: {  	v6 =	vor.u32 $0x40, v4;
	vm9 =	vlt.f32 v5, v3  }
0x4c: {  	v5 =	vsel vm9, v6, v4  }
0x4d: {  	v6 =	vand.u32 $0x40, v5  }
0x4e: {  	v4 =	vor.u32 v6, v4  }
0x4f: {  	v4 =	vor.u32 $0x1F, v4;
	_ =	sdelay $0x4  }
0x50: {  	v4 =	vld.idx.msk [tilespmem:v4+s6+$0x0], $0xffff;
	_ =	sdelay $0x4  }
0x51: {  	v44 =	vor.u32 $0x20, v5;
	vm10 =	vlt.f32 v4, v3  }
0x52: {  	v4 =	vsel vm10, v44, v5  }
0x53: {  	v5 =	vor.u32 $0xF, v4;
	_ =	sdelay $0x4  }
0x54: {  	v5 =	vld.idx.msk [tilespmem:v5+s6+$0x0], $0xffff;
	_ =	sdelay $0x4  }
0x55: {  	v6 =	vor.u32 $0x10, v4;
	vm11 =	vlt.f32 v5, v3  }
0x56: {  	v4 =	vsel vm11, v6, v4  }
0x57: {  	v45 =	vadd.s32 $0x7, v4;
	_ =	sdelay $0x4  }
0x58: {  	v5 =	vld.idx.msk [tilespmem:v45+s6+$0x0], $0xffff;
	_ =	sdelay $0x4  }
0x59: {  	v6 =	vadd.s32 $0x8, v4;
	vm12 =	vlt.f32 v5, v3  }
0x5a: {  	v4 =	vsel vm12, v6, v4  }
0x5b: {  	v46 =	vadd.s32 $0x3, v4;
	_ =	sdelay $0x4  }
0x5c: {  	v5 =	vld.idx.msk [tilespmem:v46+s6+$0x0], $0xffff;
	_ =	sdelay $0x4  }
0x5d: {  	v6 =	vadd.s32 $0x4, v4;
	vm13 =	vlt.f32 v5, v3  }
0x5e: {  	v4 =	vsel vm13, v6, v4  }
0x5f: {  	v47 =	vadd.s32 $0x1, v4;
	_ =	sdelay $0x4  }
0x60: {  	v5 =	vld.idx.msk [tilespmem:v47+s6+$0x0], $0xffff;
	_ =	sdelay $0x4  }
0x61: {  	v6 =	vadd.s32 $0x2, v4;
	vm14 =	vlt.f32 v5, v3  }
0x62: {  	v4 =	vsel vm14, v6, v4;
	_ =	sdelay $0x4  }
0x63: {  	v48 =	vld.idx.msk [tilespmem:v4+s6+$0x0], $0xffff;
	_ =	sdelay $0x4  }
0x64: {  	vm15 =	vlt.f32 v48, v3  }
0x65: {  	v3 =	vsel vm15, $0x1, v1  }
0x66: {  	v3 =	vadd.s32 v3, v4  }
0x67: {  	v3 =	vmin.u32 v3, $0xFF;
	_ =	sdelay $0x1  }
0x68: {  	v54 =	vld [tilespmem:s16+$0xC00]  }
0x69: {  	v13 =	vld [tilespmem:s16+$0x1800]  }
0x6a: {  	v56 =	vld [tilespmem:s16+$0x2400]  }
0x6b: {  	v49 =	vld.idx.msk [tilespmem:v3+s10+$0x0], $0xffff  }
0x6c: {  	v50 =	vld.idx.msk [tilespmem:v3+s11+$0x0], $0xffff  }
0x6d: {  	v51 =	vld.idx.msk [tilespmem:v3+s12+$0x0], $0xffff  }
0x6e: {  	v7 =	vld.idx.msk [tilespmem:v3+s13+$0x0], $0xffff  }
0x6f: {  	v10 =	vld.idx.msk [tilespmem:v3+s14+$0x0], $0xffff  }
0x70: {  	v53 =	vld.idx.msk [tilespmem:v3+s15+$0x0], $0xffff  }
0x71: {  	v14 =	vshrl.u32 v13, $0x10  }
0x72: {  	v57 =	vshrl.u32 v54, $0x10;
	v59 =	vshrl.u32 v56, $0x10;
	v14 =	vand.u32 $0x1, v14  }
0x73: {  	v58 =	vadd.s32 v14, v13;
	v13 =	vand.u32 $0x1, v59;
	v8 =	vshrl.u32 v49, $0x10  }
0x74: {  	v9 =	vshrl.u32 v50, $0x10;
	v52 =	vshrl.u32 v51, $0x10;
	v11 =	vshrl.u32 v7, $0x10  }
0x75: {  	v12 =	vshrl.u32 v10, $0x10;
	v55 =	vshrl.u32 v53, $0x10;
	v8 =	vand.u32 $0x1, v8  }
0x76: {  	v9 =	vand.u32 $0x1, v9;
	v11 =	vand.u32 $0x1, v11;
	v12 =	vand.u32 $0x1, v12  }
0x77: {  	v4 =	vadd.s32 v8, v49;
	v5 =	vadd.s32 v9, v50;
	v8 =	vand.u32 $0x1, v52  }
0x78: {  	v7 =	vadd.s32 v11, v7;
	v10 =	vadd.s32 v12, v10;
	v11 =	vand.u32 $0x1, v55  }
0x79: {  	v12 =	vadd.s32 v13, v56;
	v4 =	vadd.s32 $0x7FFF, v4;
	v5 =	vadd.s32 $0x7FFF, v5  }
0x7a: {  	v6 =	vadd.s32 v8, v51;
	v7 =	vadd.s32 $0x7FFF, v7;
	v10 =	vadd.s32 $0x7FFF, v10  }
0x7b: {  	v9 =	vadd.s32 v11, v53;
	v11 =	vand.u32 $0x1, v57;
	v12 =	vadd.s32 $0x7FFF, v12  }
0x7c: {  	v4 =	vand.u32 $0xFFFF0000, v4;
	v5 =	vand.u32 $0xFFFF0000, v5;
	v6 =	vadd.s32 $0x7FFF, v6  }
0x7d: {  	v7 =	vand.u32 $0xFFFF0000, v7;
	v10 =	vand.u32 $0xFFFF0000, v10;
	v8 =	vadd.s32 v11, v54  }
0x7e: {  	v9 =	vadd.s32 $0x7FFF, v9;
	v11 =	vadd.s32 $0x7FFF, v58;
	v8 =	vadd.s32 $0x7FFF, v8  }
0x7f: {  	v60 =	vld.idx.msk [tilespmem:v3+s7+$0x0], $0xffff;
	v12 =	vand.u32 $0xFFFF0000, v12;
	v11 =	vand.u32 $0xFFFF0000, v11;
	v8 =	vand.u32 $0xFFFF0000, v8  }
0x80: {  	v61 =	vld.idx.msk [tilespmem:v3+s8+$0x0], $0xffff;
	v6 =	vand.u32 $0xFFFF0000, v6;
	v10 =	vmul.f32 v11, v10;
	v7 =	vmul.f32 v8, v7  }
0x81: {  	v3 =	vld.idx.msk [tilespmem:v3+s9+$0x0], $0xffff;
	v9 =	vand.u32 $0xFFFF0000, v9;
	v6 =	vmul.f32 v11, v6;
	v5 =	vmul.f32 v8, v5  }
0x82: {  	v62 =	vmul.f32 v12, v9;
	v4 =	vmul.f32 v8, v4;
	v7 =	vadd.f32 v10, v7  }
0x83: {  	p0 =	sne.s32 s5, $0x2FC0;
	v5 =	vadd.f32 v6, v5  }
.Ltmp1:
0x84: {  	v4 =	vadd.f32 v4, v60;
	v63 =	vadd.f32 v62, v7;
	(pc) =	sbr.rel @p0 .LBB2_2-.Ltmp1, $4  }
0x85: {  	[tilespmem:s16+$0x5E00] =	vst v2;
	v5 =	vadd.f32 v5, v61  }
0x86: {  	[tilespmem:s16+$0x3A00] =	vst v4;
	v3 =	vadd.f32 v63, v3  }
0x87: {  	[tilespmem:s16+$0x4600] =	vst v5  }
0x88: {  	s5 =	sadd.s32 $0x40, s5;
	[tilespmem:s16+$0x5200] =	vst v3  }
0x89: {  	v0 =	vimm.f32 $0.0e+00;
	v1 =	vlaneseq.u32  }
0x8a: {  	s5 =	simm.s32 $0x0;
	v3 =	vimm.f32 $0.0e+00;
	v4 =	vimm.f32 $0.0e+00;
	s7 =	simm.s32 $0x0;
	s6 =	simm.s32 $0x0;
	v2 =	vor.u32 $0x80000000, v1  }
.LBB2_4:
0x8b: {  	s8 =	sshra.s32 s7, $0x1F  }
0x8c: {  	s8 =	sshrl.u32 s8, $0x1C  }
0x8d: {  	s8 =	sadd.s32 s8, s7  }
0x8e: {  	s9 =	sand.u32 $0xFFFFFFF0, s8  }
0x8f: {  	p0 =	slt.s32 s7, $0x1;
	p1 =	sne.s32 s7, s9  }
0x90: {  	p0 =	por !p0, !p1  }
0x91: {  	s9 =	simm.s32 $0x1;
	p0 =	por !p0, !p0  }
0x92: {  	s8 =	sshrl.u32 s8, $0x4;
	s9 =	simm.s32 @!p0 $0x0  }
0x93: {  	s8 =	ssub.s32 s8, s9  }
0x94: {  	s8 =	sshll.u32 s8, $0x4  }
0x95: {  	v5 =	vld [tilespmem:s8+$0x3A00]  }
0x96: {  	v6 =	vld [tilespmem:s8+$0x4600]  }
0x97: {  	s26 =	sand.u32 $0xF, s7;
	v7 =	vld [tilespmem:s8+$0x5200]  }
0x98: {  	v8 =	vmov s26  }
0x99: {  	vm0 =	veq.s32 v8, v1  }
0x9a: {  	v5 =	vnsel vm0, $0xFF800000, v5  }
0x9b: {  	(xrf0) =	vmax.scan.msk.f32 $0xffff, v5;
	v5 =	vnsel vm0, $0xFF800000, v6  }
0x9c: {  	(xrf0) =	vmax.scan.msk.f32 $0xffff, v5;
	v5 =	vnsel vm0, $0xFF800000, v7  }
0x9d: {  	(xrf0) =	vmax.scan.msk.f32 $0xffff, v5;
	_ =	sdelay $0x3  }
0x9e: {  	s28 =	sand.u32 $0xF, s6;
	v5, _, _ =	vpop (xrf0)  }
0x9f: {  	v8 =	vmov s28;
	v7, _, _ =	vpop (xrf0);
	v6 =	vbroadcast v5, $0xF  }
0xa0: {  	p0 =	sne.s32 s28, $0xF;
	vm0 =	veq.s32 v8, v1;
	v5, _, _ =	vpop (xrf0);
	v7 =	vbroadcast v7, $0xF  }
0xa1: {  	s7 =	sand.u32 @!p0 $0x1F0, s6;
	v4 =	vsel vm0, v6, v4;
	v5 =	vbroadcast v5, $0xF  }
0xa2: {  	v3 =	vsel vm0, v7, v3;
	[tilespmem:s7+$0x6A00] =	vst @!p0 v4  }
0xa3: {  	v0 =	vsel vm0, v5, v0;
	[tilespmem:s7+$0x6C00] =	vst @!p0 v3  }
0xa4: {  	s29 =	simm.s32 $0x4620;
	[tilespmem:s7+$0x6E00] =	vst @!p0 v0  }
0xa5: {  	v8 =	vld [tilespmem:s29+$0x10]  }
0xa6: {  	v9 =	vld [tilespmem:s29+$0x0]  }
0xa7: {  	s30 =	simm.s32 $0x3A20;
	v10 =	vld [tilespmem:s29+$0xFFFFFFF0]  }
0xa8: {  	v11 =	vld [tilespmem:s30+$0xFFFFFFE0]  }
0xa9: {  	v12 =	vld [tilespmem:s29+$0xFFFFFFE0]  }
0xaa: {  	s31 =	simm.s32 $0x5220;
	v13 =	vld [tilespmem:s30+$0xFFFFFFF0]  }
0xab: {  	v14 =	vld [tilespmem:s31+$0xFFFFFFE0]  }
0xac: {  	v15 =	vld [tilespmem:s31+$0xFFFFFFF0]  }
0xad: {  	v16 =	vld [tilespmem:s30+$0x0]  }
0xae: {  	v18 =	vld [tilespmem:s30+$0x10];
	v17 =	vsub.f32 v8, v7  }
0xaf: {  	s11 =	simm.s32 $0x4660;
	v20 =	vld [tilespmem:s31+$0x10];
	v8 =	vsub.f32 v11, v6;
	v11 =	vsub.f32 v12, v7  }
0xb0: {  	v19 =	vimm.f32 $-Inf;
	v24 =	vld [tilespmem:s11+$0x10];
	v10 =	vsub.f32 v10, v7;
	v13 =	vsub.f32 v13, v6  }
0xb1: {  	v23 =	vimm.s32 $0x0;
	v25 =	vld [tilespmem:s11+$0x0];
	v9 =	vsub.f32 v9, v7;
	v14 =	vsub.f32 v14, v5  }
0xb2: {  	v26 =	vld [tilespmem:s11+$0xFFFFFFF0];
	v15 =	vsub.f32 v15, v5;
	v13 =	vmul.f32 v13, v13;
	v22 =	vmul.f32 v10, v10  }
0xb3: {  	s8 =	simm.s32 $0x5E20;
	v12 =	vld [tilespmem:s31+$0x0];
	v16 =	vsub.f32 v16, v6;
	v21 =	vmul.f32 v8, v8;
	v11 =	vmul.f32 v11, v11  }
0xb4: {  	s12 =	simm.s32 $0x3A60;
	v20 =	vsub.f32 v20, v5;
	v9 =	vmul.f32 v9, v9;
	v13 =	vadd.f32 v22, v13;
	v22 =	vld [tilespmem:s8+$0xFFFFFFE0]  }
0xb5: {  	v27 =	vld [tilespmem:s12+$0xFFFFFFE0];
	v14 =	vmul.f32 v14, v14;
	v16 =	vmul.f32 v16, v16;
	v11 =	vadd.f32 v11, v21  }
0xb6: {  	v18 =	vsub.f32 v18, v6;
	v15 =	vmul.f32 v15, v15;
	v17 =	vmul.f32 v17, v17;
	v21 =	vld [tilespmem:s8+$0xFFFFFFF0]  }
0xb7: {  	v8 =	vld [tilespmem:s8+$0x10];
	v29 =	vmul.f32 v20, v20;
	v28 =	vadd.f32 v9, v16;
	v11 =	vadd.f32 v14, v11  }
0xb8: {  	v10 =	vld [tilespmem:s8+$0x0];
	v9 =	vsub.f32 v24, v7;
	v12 =	vsub.f32 v12, v5;
	v14 =	vmul.f32 v18, v18  }
0xb9: {  	v16 =	vld [tilespmem:s11+$0xFFFFFFE0];
	v13 =	vadd.f32 v15, v13;
	v18 =	vsub.f32 v25, v7;
	v20 =	vmin.f32 v22, v11  }
0xba: {  	s13 =	simm.s32 $0x5260;
	v15 =	vld [tilespmem:s12+$0xFFFFFFF0];
	v30 =	vadd.f32 v17, v14;
	v22 =	vmul.f32 v12, v12;
	vm0 =	vgt.f32 v20, v19  }
0xbb: {  	v17 =	vsub.f32 v26, v7;
	v14 =	vld [tilespmem:s13+$0xFFFFFFF0];
	v21 =	vmin.f32 v21, v13;
	v19 =	vsel vm0, v20, v19  }
0xbc: {  	s14 =	simm.s32 $0x8;
	s15 =	simm.s32 $0x1;
	v12 =	vld [tilespmem:s13+$0xFFFFFFE0];
	[tilespmem:s8+$0xFFFFFFE0] =	vst v20;
	v11 =	vsel vm0, s5, v23;
	v22 =	vadd.f32 v22, v28;
	vm0 =	vgt.f32 v21, v19  }
0xbd: {  	s10 =	simm.s32 $0x0;
	s9 =	simm.s32 $0x5E20;
	s7 =	simm.s32 $0x4;
	v13 =	vld [tilespmem:s12+$0x0];
	[tilespmem:s8+$0xFFFFFFF0] =	vst v21;
	v20 =	vsub.f32 v27, v6;
	v19 =	vsel vm0, v21, v19;
	v21 =	vadd.f32 v29, v30  }
.LBB2_5:
0xbe: {  	p0 =	slt.u32 s14, $0xBC  }
0xbf: {  	v16 =	vsub.f32 v16, v7;
	v23 =	vld [tilespmem:s12+$0x10];
	v11 =	vsel vm0, s15, v11;
	v10 =	vmin.f32 v10, v22;
	s8 =	sadd.s32 $0x40, s8;
	s15 =	smov.u32 s14;
	s14 =	sadd.s32 $0x4, s14  }
0xc0: {  	v18 =	vmul.f32 v18, v18;
	v15 =	vsub.f32 v15, v6;
	v22 =	vld [tilespmem:s13+$0x0];
	[tilespmem:s9+$0x0] =	vst v10;
	vm0 =	vgt.f32 v10, v19  }
0xc1: {  	v20 =	vmul.f32 v20, v20;
	v21 =	vmin.f32 v8, v21;
	v16 =	vmul.f32 v16, v16;
	v24 =	vld [tilespmem:s13+$0x10]  }
0xc2: {  	v17 =	vmul.f32 v17, v17;
	s16 =	sadd.s32 $0x2, s10;
	v19 =	vsel vm0, v10, v19;
	v15 =	vmul.f32 v15, v15;
	v8 =	vld [tilespmem:s8+$0x10];
	[tilespmem:s9+$0x10] =	vst v21;
	s9 =	smov.u32 s8  }
0xc3: {  	v12 =	vsub.f32 v12, v5;
	v11 =	vsel vm0, s16, v11;
	v16 =	vadd.f32 v16, v20;
	v10 =	vld [tilespmem:s8+$0x0]  }
0xc4: {  	s16 =	sadd.s32 $0x3, s10;
	s10 =	smov.u32 s7;
	s7 =	smov.u32 s15;
	v14 =	vsub.f32 v14, v5;
	vm0 =	vgt.f32 v21, v19;
	v15 =	vadd.f32 v17, v15;
	v17 =	vld [tilespmem:s8+$0xFFFFFFF0]  }
0xc5: {  	s11 =	sadd.s32 $0x40, s11;
	v13 =	vsub.f32 v13, v6;
	v19 =	vsel vm0, v21, v19;
	v23 =	vsub.f32 v23, v6;
	v20 =	vld [tilespmem:s8+$0xFFFFFFE0]  }
0xc6: {  	v12 =	vmul.f32 v12, v12;
	v11 =	vsel vm0, s16, v11;
	v22 =	vsub.f32 v22, v5;
	v21 =	vld [tilespmem:s11+$0x10]  }
0xc7: {  	v14 =	vmul.f32 v14, v14;
	v13 =	vmul.f32 v13, v13;
	v24 =	vsub.f32 v24, v5;
	v25 =	vld [tilespmem:s11+$0x0]  }
0xc8: {  	v9 =	vmul.f32 v9, v9;
	s12 =	sadd.s32 $0x40, s12;
	v12 =	vadd.f32 v12, v16;
	v23 =	vmul.f32 v23, v23;
	v26 =	vld [tilespmem:s11+$0xFFFFFFF0]  }
0xc9: {  	v14 =	vadd.f32 v14, v15;
	v13 =	vadd.f32 v18, v13;
	v24 =	vmul.f32 v24, v24;
	v27 =	vld [tilespmem:s12+$0xFFFFFFE0]  }
.Ltmp2:
0xca: {  	v22 =	vmul.f32 v22, v22;
	v23 =	vadd.f32 v9, v23;
	v16 =	vld [tilespmem:s11+$0xFFFFFFE0];
	v20 =	vmin.f32 v20, v12;
	(pc) =	sbr.rel @p0 .LBB2_5-.Ltmp2, $4  }
0xcb: {  	s13 =	sadd.s32 $0x40, s13;
	v15 =	vld [tilespmem:s12+$0xFFFFFFF0];
	v9 =	vsub.f32 v21, v7;
	[tilespmem:s8+$0xFFFFFFE0] =	vst v20;
	vm0 =	vgt.f32 v20, v19;
	v21 =	vmin.f32 v17, v14  }
0xcc: {  	v12 =	vld [tilespmem:s13+$0xFFFFFFE0];
	v18 =	vsub.f32 v25, v7;
	v19 =	vsel vm0, v20, v19;
	v11 =	vsel vm0, s10, v11;
	[tilespmem:s8+$0xFFFFFFF0] =	vst v21  }
0xcd: {  	v22 =	vadd.f32 v22, v13;
	v17 =	vsub.f32 v26, v7;
	v14 =	vld [tilespmem:s13+$0xFFFFFFF0];
	vm0 =	vgt.f32 v21, v19  }
0xce: {  	s15 =	sadd.s32 $0x1, s10;
	v20 =	vsub.f32 v27, v6;
	v13 =	vld [tilespmem:s12+$0x0];
	v19 =	vsel vm0, v21, v19;
	v21 =	vadd.f32 v24, v23  }
0xcf: {  	v7 =	vsub.f32 v16, v7  }
0xd0: {  	v10 =	vmin.f32 v10, v22;
	v18 =	vmul.f32 v18, v18;
	v17 =	vmul.f32 v17, v17  }
0xd1: {  	v52 =	vld [tilespmem:s12+$0x10];
	v9 =	vmul.f32 v9, v9;
	v15 =	vsub.f32 v15, v6;
	vm1 =	vgt.f32 v10, v19  }
0xd2: {  	v53 =	vld [tilespmem:s13+$0x0];
	v20 =	vmul.f32 v20, v20;
	v8 =	vmin.f32 v8, v21;
	v7 =	vmul.f32 v7, v7  }
0xd3: {  	v54 =	vld [tilespmem:s13+$0x10];
	s8 =	sadd.s32 $0x40, s8;
	v19 =	vsel vm1, v10, v19;
	v12 =	vsub.f32 v12, v5;
	v15 =	vmul.f32 v15, v15  }
0xd4: {  	v55 =	vld [tilespmem:s8+$0xFFFFFFE0];
	v14 =	vsub.f32 v14, v5;
	vm2 =	vgt.f32 v8, v19;
	v7 =	vadd.f32 v7, v20  }
0xd5: {  	v13 =	vsub.f32 v13, v6;
	v12 =	vmul.f32 v12, v12;
	v19 =	vsel vm2, v8, v19  }
0xd6: {  	v56 =	vld [tilespmem:s8+$0xFFFFFFF0];
	v15 =	vadd.f32 v17, v15;
	v6 =	vsub.f32 v52, v6;
	v14 =	vmul.f32 v14, v14  }
0xd7: {  	v57 =	vsub.f32 v53, v5;
	v13 =	vmul.f32 v13, v13;
	v7 =	vadd.f32 v12, v7  }
0xd8: {  	v58 =	vld [tilespmem:s8+$0x0];
	v5 =	vsub.f32 v54, v5;
	v6 =	vmul.f32 v6, v6;
	v14 =	vadd.f32 v14, v15  }
0xd9: {  	v59 =	vmul.f32 v57, v57;
	v13 =	vadd.f32 v18, v13;
	v7 =	vmin.f32 v55, v7  }
0xda: {  	v60 =	vld [tilespmem:s8+$0x10];
	v5 =	vmul.f32 v5, v5;
	v6 =	vadd.f32 v9, v6;
	vm3 =	vgt.f32 v7, v19  }
0xdb: {  	v61 =	vmin.f32 v56, v14;
	v62 =	vsel vm3, v7, v19;
	v13 =	vadd.f32 v59, v13  }
0xdc: {  	vm4 =	vgt.f32 v61, v62  }
0xdd: {  	v5 =	vadd.f32 v5, v6;
	v14 =	vsel vm4, v61, v62;
	v6 =	vmin.f32 v58, v13  }
0xde: {  	vm5 =	vgt.f32 v6, v14  }
0xdf: {  	v5 =	vmin.f32 v60, v5;
	v12 =	vsel vm5, v6, v14  }
0xe0: {  	vm6 =	vgt.f32 v5, v12  }
0xe1: {  	v12 =	vsel vm6, v5, v12  }
0xe2: {  	(xrf0) =	vmax.scan.msk.f32 $0xffff, v12  }
0xe3: {  	v11 =	vsel vm0, s15, v11;
	s11 =	sadd.s32 $0x2, s10  }
0xe4: {  	s26 =	sadd.s32 $0x3, s10;
	v11 =	vsel vm1, s11, v11  }
0xe5: {  	v11 =	vsel vm2, s26, v11  }
0xe6: {  	s28 =	sadd.s32 $0x1, s7;
	v11 =	vsel vm3, s7, v11  }
0xe7: {  	s29 =	sadd.s32 $0x2, s7;
	v11 =	vsel vm4, s28, v11  }
0xe8: {  	s30 =	sadd.s32 $0x3, s7;
	v11 =	vsel vm5, s29, v11;
	v63, _, _ =	vpop (xrf0)  }
0xe9: {  	v11 =	vsel vm6, s30, v11;
	v13 =	vbroadcast v63, $0xF  }
0xea: {  	v11 =	vshll.u32 v11, $0x4  }
0xeb: {  	v11 =	vxor.u32 v2, v11;
	vm15 =	veq.f32 v12, v13  }
0xec: {  	v11 =	vnsel vm15, $0x80000C00, v11  }
0xed: {  	(xrf0) =	vmin.scan.msk.u32 $0xffff, v11;
	_ =	sdelay $0x5  }
0xee: {  	v11, _, _ =	vpop (xrf0)  }
0xef: {  	(v2sf) =	vpush v11, $0xF;
	_ =	sdelay $0x9  }
0xf0: {  	s6 =	sadd.s32 $0x1, s6  }
0xf1: {  	[tilespmem:s9+$0x0] =	vst v10;
	p0 =	sne.s32 s6, $0x200  }
.Ltmp3:
0xf2: {  	[tilespmem:s9+$0x10] =	vst v8;
	(pc) =	sbr.rel @p0 .LBB2_4-.Ltmp3, $4  }
0xf3: {  	[tilespmem:s8+$0xFFFFFFE0] =	vst v7  }
0xf4: {  	[tilespmem:s8+$0xFFFFFFF0] =	vst v61  }
0xf5: {  	[tilespmem:s8+$0x0] =	vst v6;
	s31 =	spop (v2sf)  }
0xf6: {  	[tilespmem:s8+$0x10] =	vst v5;
	s7 =	sxor.u32 $0x80000000, s31  }
0xf7: {  	s5 =	simm.s32 $0x80  }
0xf8: {  	s6 =	simm.s32 $0x400;
	s7 =	simm.s32 $0x6A00;
	s29 =	simm.s32 $0x1  }
0xf9: {  	[hbm4b:s4+s5] =	stream.strided.scatter [tilespmem:s7], [sflag:$0x1], $0x200, s6, s5, $0x38;
	[tilespmem:$0x7000] =	vst v63  }
0xfa: {  	_ =	swait.ge [sflag:s29], $0x200  }
0xfb: {  	[sflag:s29] =	ssyncset.done $0x0  }
0xfc: {  	s30 =	simm.s32 $0x6C00;
	[sflag:s29] =	ssyncadd.s32 $0xFFFFFE00  }
0xfd: {  	[hbm4b:s3+s5] =	stream.strided.scatter [tilespmem:s30], [sflag:$0x1], $0x200, s6, s5, $0x38;
	[tilespmem:$0x7000] =	vst v63  }
0xfe: {  	_ =	swait.ge [sflag:s29], $0x200  }
0xff: {  	[sflag:s29] =	ssyncset.done $0x0  }
0x100: {  	s31 =	simm.s32 $0x6E00;
	[sflag:s29] =	ssyncadd.s32 $0xFFFFFE00  }
0x101: {  	[hbm4b:s2+s5] =	stream.strided.scatter [tilespmem:s31], [sflag:$0x1], $0x200, s6, s5, $0x38;
	[tilespmem:$0x7000] =	vst v63  }
0x102: {  	_ =	swait.ge [sflag:s29], $0x200  }
0x103: {  	[sflag:s29] =	ssyncset.done $0x0  }
0x104: {  	[sflag:s29] =	ssyncadd.s32 $0xFFFFFE00  }
.LBB2_8:
0x105: {  	_ =	sfence.sel $0x180000  }
0x106: {  	[bflag:$0x0] =	sbarrier.arrive $0xFFFF  }
0x107: {  	p0 =	sne.s32 s1, $0x0;
	_ =	strace $0x90000047  }
0x108: {  	s0 =	sadd.s32 @!p0 $0x100000, s0;
	[bflag:$0x2] =	sbarrier.arrive $0xFFFF  }
0x109: {  	[sflag:s0] =	ssyncadd.tile.s32 @!p0 $0x1;
	_ =	shalt  }
.Lfunc_end2:
_tile_overlayer_lowered:
.L_overlay_start_2:
0x10a: {  	(tag) =	ssettag $0x2  }
0x10b: {  	s0 =	rddreg [dreg:$0x0];
	s2 =	stileid.u32  }
0x10c: {  	s1 =	rddreg [dreg:$0x1];
	p0 =	sne.s32 s2, $0x0  }
0x10d: {  	s3 =	rddreg [dreg:$0x2];
	[bflag:$0x3] =	sbarrier.arrive $0xFFFF;
	s2 =	simm.s32 @!p0 $0x1C01  }
0x10e: {  	[timem:s3], [sflag:s2] =	dma.local @!p0 [hbm:s0], s1  }
0x10f: {  	s0 =	simm.s32 @!p0 $0x1  }
0x110: {  	_ =	swait.ge @!p0 [sflag:s0], s1  }
0x111: {  	s1 =	ssub.s32 @!p0 $0x0, s1;
	[sflag:s0] =	ssyncset.done @!p0 $0x0  }
0x112: {  	[sflag:s0] =	ssyncadd.s32 @!p0 s1  }
0x113: {  	[bflag:$0x3] =	sbarrier.arrive $0xFFFF  }
0x114: {  	_ =	shalt  }

</sc_bundles>
